<compile_context>
chip_gen: v7x
topology: tpu7x:2x2x1
jax: 0.10.2.dev20260603
libtpu: 0.0.44.dev20260713+nightly
codegen_flags: <defaults>
</compile_context>

<pallas_src>
import functools

import jax
import jax.numpy as jnp
from jax import lax
from jax.experimental import pallas as pl
from jax.experimental.pallas import tpu as pltpu
from jax.experimental.pallas import tpu_sc as plsc

N = 10000
E = 160000
F_IN = 32
F_OUT = 32
D_EDGE = 16

NC = 2
NS = 16
NW = NC * NS
PER_W = E // NW
C = 125
NCH = PER_W // C
GF = 8
NG = NCH // GF
NP = 10240
SLAB = NP // NS

ROW = F_OUT + 16

TE = 2000
TN = 2048


def _gather_body(feat_hbm, src_hbm, xsrc_hbm, idx_v, rows_v, sem):
    c = lax.axis_index("c")
    s = lax.axis_index("s")
    wid = c * NS + s
    pltpu.sync_copy(src_hbm.at[pl.ds(wid * NCH, NCH)], idx_v)

    def group(g, carry):
        cps = [
            pltpu.async_copy(
                feat_hbm.at[idx_v.at[g * GF + b]],
                rows_v.at[pl.ds(b * C, C)],
                sem,
            )
            for b in range(GF)
        ]
        for cp in cps:
            cp.wait()
        pltpu.sync_copy(
            rows_v, xsrc_hbm.at[pl.ds(wid * PER_W + g * (GF * C), GF * C)]
        )
        return carry

    lax.fori_loop(0, NG, group, 0)


def _sc_gather(feat, src2d):
    mesh = plsc.VectorSubcoreMesh(core_axis_name="c", subcore_axis_name="s")
    return pl.kernel(
        _gather_body,
        out_type=jax.ShapeDtypeStruct((E, F_IN), jnp.float32),
        mesh=mesh,
        compiler_params=pltpu.CompilerParams(use_tc_tiling_on_sc=False),
        scratch_types=[
            pltpu.VMEM((NCH, C), jnp.int32),
            pltpu.VMEM((GF * C, F_IN), jnp.float32),
            pltpu.SemaphoreType.DMA,
        ],
    )(feat, src2d)


def _msg_body(x_ref, ef_ref, w_ref, r_ref, o_ref):
    z = jnp.dot(
        x_ref[...].astype(jnp.bfloat16),
        w_ref[...].astype(jnp.bfloat16),
        preferred_element_type=jnp.float32,
    )
    efr = jnp.dot(
        ef_ref[...].astype(jnp.bfloat16),
        r_ref[...].astype(jnp.bfloat16),
        preferred_element_type=jnp.float32,
    )
    mf = efr * z[:, 0:512]
    s1 = mf[:, 0:128] + mf[:, 128:256] + mf[:, 256:384] + mf[:, 384:512]
    acc = (
        z[:, 512:544]
        + s1[:, 0:32]
        + s1[:, 32:64]
        + s1[:, 64:96]
        + s1[:, 96:128]
    )
    ones_blk = (
        lax.broadcasted_iota(jnp.int32, (TE, 16), 1) == 0
    ).astype(jnp.float32)
    o_ref[...] = jnp.concatenate([acc, ones_blk], axis=1)


def _tc_msg(xsrc, efeat, wfull, rexp):
    return pl.pallas_call(
        _msg_body,
        grid=(E // TE,),
        in_specs=[
            pl.BlockSpec((TE, F_IN), lambda i: (i, 0)),
            pl.BlockSpec((TE, D_EDGE), lambda i: (i, 0)),
            pl.BlockSpec((F_IN, 544), lambda i: (0, 0)),
            pl.BlockSpec((D_EDGE, 512), lambda i: (0, 0)),
        ],
        out_specs=pl.BlockSpec((TE, ROW), lambda i: (i, 0)),
        out_shape=jax.ShapeDtypeStruct((E, ROW), jnp.float32),
    )(xsrc, efeat, wfull, rexp)


def _scatter_body(msg_hbm, dst_hbm, zeros_hbm, acc_hbm, idx_v, rows_v, slab_v, sem, shared):
    c = lax.axis_index("c")
    s = lax.axis_index("s")
    wid = c * NS + s

    if True:
        pltpu.sync_copy(zeros_hbm.at[pl.ds(s * SLAB, SLAB)], slab_v)
        pltpu.sync_copy(slab_v, shared.at[pl.ds(s * SLAB, SLAB)])
        plsc.subcore_barrier()

        pltpu.sync_copy(dst_hbm.at[pl.ds(wid * NCH, NCH)], idx_v)

        def group(g, carry):
            pltpu.sync_copy(
                msg_hbm.at[pl.ds(wid * PER_W + g * (GF * C), GF * C)], rows_v
            )
            cps = [
                pltpu.async_copy(
                    rows_v.at[pl.ds(b * C, C)],
                    shared.at[idx_v.at[g * GF + b]],
                    sem,
                    add=True,
                )
                for b in range(GF)
            ]
            for cp in cps:
                cp.wait()
            return carry

        lax.fori_loop(0, NG, group, 0)
        plsc.subcore_barrier()

        pltpu.sync_copy(shared.at[pl.ds(s * SLAB, SLAB)], slab_v)
        pltpu.sync_copy(slab_v, acc_hbm.at[c, pl.ds(s * SLAB, SLAB)])


def _sc_scatter(msg48, dst2d, zeros):
    mesh = plsc.VectorSubcoreMesh(core_axis_name="c", subcore_axis_name="s")
    return pl.kernel(
        _scatter_body,
        out_type=jax.ShapeDtypeStruct((NC, NP, ROW), jnp.float32),
        mesh=mesh,
        compiler_params=pltpu.CompilerParams(use_tc_tiling_on_sc=False),
        scratch_types=[
            pltpu.VMEM((NCH, C), jnp.int32),
            pltpu.VMEM((GF * C, ROW), jnp.float32),
            pltpu.VMEM((SLAB, ROW), jnp.float32),
            pltpu.SemaphoreType.DMA,
            pltpu.VMEM_SHARED((NP, ROW), jnp.float32),
        ],
    )(msg48, dst2d, zeros)


def _fin_body(a_ref, b_ref, o_ref):
    a = a_ref[...]
    ssum = a[0] + a[1]
    cnt = ssum[:, F_OUT : F_OUT + 1]
    o_ref[...] = ssum[:, :F_OUT] / jnp.maximum(cnt, 1.0) + b_ref[...]


def _tc_fin(acc, bias2d):
    return pl.pallas_call(
        _fin_body,
        grid=(NP // TN,),
        in_specs=[
            pl.BlockSpec((NC, TN, ROW), lambda j: (0, j, 0)),
            pl.BlockSpec((1, F_OUT), lambda j: (0, 0)),
        ],
        out_specs=pl.BlockSpec((TN, F_OUT), lambda j: (j, 0)),
        out_shape=jax.ShapeDtypeStruct((N, F_OUT), jnp.float32),
    )(acc, bias2d)


def kernel(feat, edge_index, efeat, W_edge, b_edge, bias):
    src2d = edge_index[0].reshape(E // C, C)
    dst2d = edge_index[1].reshape(E // C, C)
    wcat = W_edge.reshape(D_EDGE, F_IN, F_OUT).transpose(1, 0, 2).reshape(F_IN, 512)
    wfull = jnp.concatenate([wcat, b_edge.reshape(F_IN, F_OUT)], axis=1)

    rexp = (
        jnp.arange(512, dtype=jnp.int32)[None, :] // F_OUT
        == jnp.arange(D_EDGE, dtype=jnp.int32)[:, None]
    ).astype(jnp.float32)
    xsrc = _sc_gather(feat, src2d)
    msg48 = _tc_msg(xsrc, efeat, wfull, rexp)
    acc = _sc_scatter(msg48, dst2d, jnp.zeros((NP, ROW), jnp.float32))
    return _tc_fin(acc, bias.reshape(1, F_OUT))

# --- scband reference (transcript-rebuilt; emitter-appended) ---
"""Pipeline reference for scband-nnconv-23845658427655 (READ-ONLY COPY).

The authoritative reference and input builder live on the scoring server;
editing this copy changes nothing except your own understanding.
"""

import jax, jax.numpy as jnp
import numpy as np

N = 10000
E = 160000
IN_FEATS = 32
OUT_FEATS = 32
D_EDGE = 16


def setup_inputs(seed: int = 0) -> dict:
    key = jax.random.key(seed)
    ks = jax.random.split(key, 6)
    feat = jax.random.normal(ks[0], (N, IN_FEATS), dtype=jnp.float32)
    edge_index = jax.random.randint(ks[1], (2, E), 0, N, dtype=jnp.int32)
    efeat = jax.random.normal(ks[2], (E, D_EDGE), dtype=jnp.float32)
    # edge_func = nn.Linear(D_EDGE, IN_FEATS * OUT_FEATS)
    bound = 1.0 / np.sqrt(D_EDGE)
    W_edge = jax.random.uniform(ks[3], (D_EDGE, IN_FEATS * OUT_FEATS), dtype=jnp.float32, minval=-bound, maxval=bound)
    b_edge = jax.random.uniform(ks[4], (IN_FEATS * OUT_FEATS,), dtype=jnp.float32, minval=-bound, maxval=bound)
    bias = jnp.zeros((OUT_FEATS,), dtype=jnp.float32)
    return {"feat": feat, "edge_index": edge_index, "efeat": efeat, "W_edge": W_edge, "b_edge": b_edge, "bias": bias}


def reference(feat, edge_index, efeat, W_edge, b_edge, bias):
    src = edge_index[0]
    dst = edge_index[1]
    # edge_func(efeat).view(-1, in_feats, out_feats)
    ew = (efeat @ W_edge + b_edge).reshape(-1, IN_FEATS, OUT_FEATS)  # [E, in, out]
    # message: u_mul_e with feat_src unsqueezed, then sum over in dim.
    # Equivalent per-edge matvec: msg_e = x_src_e @ W_e -> [E, out]
    x_src = jnp.take(feat, src, axis=0)  # [E, in]
    msg = jnp.einsum('ei,eio->eo', x_src, ew)  # [E, out]
    # mean reducer over incoming edges per dst node
    summed = jax.ops.segment_sum(msg, dst, num_segments=N)  # [N, out]
    cnt = jax.ops.segment_sum(jnp.ones((E,), dtype=jnp.float32), dst, num_segments=N)
    mean = summed / jnp.clip(cnt, 1.0)[:, None]
    # residual=False, bias=True
    rst = mean + bias
    return rst

if __name__ == "__main__":
    import jax
    _d = setup_inputs()
    print(jax.jit(kernel)(*tuple(_d.values())))

</pallas_src>

<mosaic_0001>
#map = affine_map<(d0, d1) -> (0, 0)>
module attributes {stable_mosaic.version = 14 : i64} {
  func.func @_gather_body(%arg0: i32, %arg1: i32, %arg2: memref<10000x32xf32, #tpu.memory_space<hbm>>, %arg3: memref<1280x125xi32, #tpu.memory_space<hbm>>, %arg4: memref<160000x32xf32, #tpu.memory_space<hbm>>, %arg5: memref<40x125xi32, #tpu.memory_space<vmem>>, %arg6: memref<1000x32xf32, #tpu.memory_space<vmem>>, %arg7: memref<!tpu.dma_semaphore, #tpu.memory_space<semaphore_mem>>) attributes {dimension_semantics = [#tpu.dimension_semantics<core_parallel>, #tpu.dimension_semantics<subcore_parallel>], iteration_bounds = array<i64: 2, 16>, scalar_prefetch = 0 : i64, scratch_operands = 3 : i64, tpu.core_type = #tpu.core_type<sc_vector_subcore>, window_params = [{transform_indices = #map}, {transform_indices = #map}, {transform_indices = #map}]} {
    %mul3A = arith.constant 16 : i32
    %mul3A_0 = arith.muli %arg0, %mul3A : i32
    %add3A = arith.addi %mul3A_0, %arg1 : i32
    %mul3A_1 = arith.constant 40 : i32
    %mul3A_2 = arith.muli %add3A, %mul3A_1 : i32
    "tpu.region"() ({
      %run_scoped3A = tpu.sem_alloc : memref<!tpu.dma_semaphore, #tpu.memory_space<semaphore_mem>>
      %dma_start3A = arith.constant 0 : i32
      %dma_start3A_8 = tpu.memref_slice %arg3[%mul3A_2, %dma_start3A] : memref<1280x125xi32, #tpu.memory_space<hbm>> -> memref<40x125xi32, #tpu.memory_space<hbm>>
      %dma_start3A_9 = arith.constant 0 : i32
      %dma_start3A_10 = tpu.memref_slice %arg3[%mul3A_2, %dma_start3A_9] : memref<1280x125xi32, #tpu.memory_space<hbm>> -> memref<40x125xi32, #tpu.memory_space<hbm>>
      tpu.enqueue_dma source(%dma_start3A_10 : memref<40x125xi32, #tpu.memory_space<hbm>>) target(%arg5 : memref<40x125xi32, #tpu.memory_space<vmem>>) target_semaphore(%run_scoped3A : memref<!tpu.dma_semaphore, #tpu.memory_space<semaphore_mem>>)
      %dma_wait3A = arith.constant 0 : i32
      %dma_wait3A_11 = tpu.memref_slice %arg3[%mul3A_2, %dma_wait3A] : memref<1280x125xi32, #tpu.memory_space<hbm>> -> memref<40x125xi32, #tpu.memory_space<hbm>>
      %dma_wait3A_12 = arith.constant 0 : i32
      %dma_wait3A_13 = tpu.memref_slice %arg3[%mul3A_2, %dma_wait3A_12] : memref<1280x125xi32, #tpu.memory_space<hbm>> -> memref<40x125xi32, #tpu.memory_space<hbm>>
      tpu.wait_dma2 semaphore(%run_scoped3A : memref<!tpu.dma_semaphore, #tpu.memory_space<semaphore_mem>>) src(%dma_wait3A_13 : memref<40x125xi32, #tpu.memory_space<hbm>>) dst(%arg5 : memref<40x125xi32, #tpu.memory_space<vmem>>)
      tpu.yield
    }) : () -> ()
    %scan3A = arith.constant 0 : i32
    %scan3A_3 = arith.constant 0 : i32
    %scan3A_4 = arith.constant 5 : i32
    %scan3A_5 = arith.addi %scan3A_3, %scan3A_4 : i32
    %scan3A_6 = arith.constant 1 : i32
    scf.for %scan3A_8 = %scan3A_3 to %scan3A_5 step %scan3A_6  : i32 {
      %mul3A_9 = arith.constant 8 : i32
      %mul3A_10 = arith.muli %scan3A_8, %mul3A_9 : i32
      %add3A_11 = arith.constant 0 : i32
      %add3A_12 = arith.addi %mul3A_10, %add3A_11 : i32
      %dma_start3A = arith.constant 0 : i32
      %dma_start3A_13 = arith.constant 0 : i32
      %dma_start3A_14 = tpu.memref_slice %arg6[%dma_start3A, %dma_start3A_13] : memref<1000x32xf32, #tpu.memory_space<vmem>> -> memref<125x32xf32, #tpu.memory_space<vmem>>
      %dma_start3A_15 = arith.constant 0 : i32
      %dma_start3A_16 = tpu.memref_slice %arg5[%add3A_12, %dma_start3A_15] : memref<40x125xi32, #tpu.memory_space<vmem>> -> memref<1x125xi32, #tpu.memory_space<vmem>>
      %dma_start3A_17 = tpu.memref_squeeze %dma_start3A_16 : memref<1x125xi32, #tpu.memory_space<vmem>> -> memref<125xi32, #tpu.memory_space<vmem>>
      %dma_start3A_18 = arith.constant 0 : i32
      %dma_start3A_19 = arith.constant 0 : i32
      %dma_start3A_20 = tpu.memref_slice %arg2[%dma_start3A_18, %dma_start3A_19] : memref<10000x32xf32, #tpu.memory_space<hbm>> -> memref<10000x32xf32, #tpu.memory_space<hbm>>
      tpu.enqueue_indirect_dma source(%dma_start3A_20 : memref<10000x32xf32, #tpu.memory_space<hbm>>) target(%dma_start3A_14 : memref<125x32xf32, #tpu.memory_space<vmem>>) offsets(%dma_start3A_17 : memref<125xi32, #tpu.memory_space<vmem>>) semaphore(%arg7 : memref<!tpu.dma_semaphore, #tpu.memory_space<semaphore_mem>>)
      %mul3A_21 = arith.constant 8 : i32
      %mul3A_22 = arith.muli %scan3A_8, %mul3A_21 : i32
      %add3A_23 = arith.constant 1 : i32
      %add3A_24 = arith.addi %mul3A_22, %add3A_23 : i32
      %dma_start3A_25 = arith.constant 125 : i32
      %dma_start3A_26 = arith.constant 0 : i32
      %dma_start3A_27 = tpu.memref_slice %arg6[%dma_start3A_25, %dma_start3A_26] : memref<1000x32xf32, #tpu.memory_space<vmem>> -> memref<125x32xf32, #tpu.memory_space<vmem>>
      %dma_start3A_28 = arith.constant 0 : i32
      %dma_start3A_29 = tpu.memref_slice %arg5[%add3A_24, %dma_start3A_28] : memref<40x125xi32, #tpu.memory_space<vmem>> -> memref<1x125xi32, #tpu.memory_space<vmem>>
      %dma_start3A_30 = tpu.memref_squeeze %dma_start3A_29 : memref<1x125xi32, #tpu.memory_space<vmem>> -> memref<125xi32, #tpu.memory_space<vmem>>
      %dma_start3A_31 = arith.constant 0 : i32
      %dma_start3A_32 = arith.constant 0 : i32
      %dma_start3A_33 = tpu.memref_slice %arg2[%dma_start3A_31, %dma_start3A_32] : memref<10000x32xf32, #tpu.memory_space<hbm>> -> memref<10000x32xf32, #tpu.memory_space<hbm>>
      tpu.enqueue_indirect_dma source(%dma_start3A_33 : memref<10000x32xf32, #tpu.memory_space<hbm>>) target(%dma_start3A_27 : memref<125x32xf32, #tpu.memory_space<vmem>>) offsets(%dma_start3A_30 : memref<125xi32, #tpu.memory_space<vmem>>) semaphore(%arg7 : memref<!tpu.dma_semaphore, #tpu.memory_space<semaphore_mem>>)
      %mul3A_34 = arith.constant 8 : i32
      %mul3A_35 = arith.muli %scan3A_8, %mul3A_34 : i32
      %add3A_36 = arith.constant 2 : i32
      %add3A_37 = arith.addi %mul3A_35, %add3A_36 : i32
      %dma_start3A_38 = arith.constant 250 : i32
      %dma_start3A_39 = arith.constant 0 : i32
      %dma_start3A_40 = tpu.memref_slice %arg6[%dma_start3A_38, %dma_start3A_39] : memref<1000x32xf32, #tpu.memory_space<vmem>> -> memref<125x32xf32, #tpu.memory_space<vmem>>
      %dma_start3A_41 = arith.constant 0 : i32
      %dma_start3A_42 = tpu.memref_slice %arg5[%add3A_37, %dma_start3A_41] : memref<40x125xi32, #tpu.memory_space<vmem>> -> memref<1x125xi32, #tpu.memory_space<vmem>>
      %dma_start3A_43 = tpu.memref_squeeze %dma_start3A_42 : memref<1x125xi32, #tpu.memory_space<vmem>> -> memref<125xi32, #tpu.memory_space<vmem>>
      %dma_start3A_44 = arith.constant 0 : i32
      %dma_start3A_45 = arith.constant 0 : i32
      %dma_start3A_46 = tpu.memref_slice %arg2[%dma_start3A_44, %dma_start3A_45] : memref<10000x32xf32, #tpu.memory_space<hbm>> -> memref<10000x32xf32, #tpu.memory_space<hbm>>
      tpu.enqueue_indirect_dma source(%dma_start3A_46 : memref<10000x32xf32, #tpu.memory_space<hbm>>) target(%dma_start3A_40 : memref<125x32xf32, #tpu.memory_space<vmem>>) offsets(%dma_start3A_43 : memref<125xi32, #tpu.memory_space<vmem>>) semaphore(%arg7 : memref<!tpu.dma_semaphore, #tpu.memory_space<semaphore_mem>>)
      %mul3A_47 = arith.constant 8 : i32
      %mul3A_48 = arith.muli %scan3A_8, %mul3A_47 : i32
      %add3A_49 = arith.constant 3 : i32
      %add3A_50 = arith.addi %mul3A_48, %add3A_49 : i32
      %dma_start3A_51 = arith.constant 375 : i32
      %dma_start3A_52 = arith.constant 0 : i32
      %dma_start3A_53 = tpu.memref_slice %arg6[%dma_start3A_51, %dma_start3A_52] : memref<1000x32xf32, #tpu.memory_space<vmem>> -> memref<125x32xf32, #tpu.memory_space<vmem>>
      %dma_start3A_54 = arith.constant 0 : i32
      %dma_start3A_55 = tpu.memref_slice %arg5[%add3A_50, %dma_start3A_54] : memref<40x125xi32, #tpu.memory_space<vmem>> -> memref<1x125xi32, #tpu.memory_space<vmem>>
      %dma_start3A_56 = tpu.memref_squeeze %dma_start3A_55 : memref<1x125xi32, #tpu.memory_space<vmem>> -> memref<125xi32, #tpu.memory_space<vmem>>
      %dma_start3A_57 = arith.constant 0 : i32
      %dma_start3A_58 = arith.constant 0 : i32
      %dma_start3A_59 = tpu.memref_slice %arg2[%dma_start3A_57, %dma_start3A_58] : memref<10000x32xf32, #tpu.memory_space<hbm>> -> memref<10000x32xf32, #tpu.memory_space<hbm>>
      tpu.enqueue_indirect_dma source(%dma_start3A_59 : memref<10000x32xf32, #tpu.memory_space<hbm>>) target(%dma_start3A_53 : memref<125x32xf32, #tpu.memory_space<vmem>>) offsets(%dma_start3A_56 : memref<125xi32, #tpu.memory_space<vmem>>) semaphore(%arg7 : memref<!tpu.dma_semaphore, #tpu.memory_space<semaphore_mem>>)
      %mul3A_60 = arith.constant 8 : i32
      %mul3A_61 = arith.muli %scan3A_8, %mul3A_60 : i32
      %add3A_62 = arith.constant 4 : i32
      %add3A_63 = arith.addi %mul3A_61, %add3A_62 : i32
      %dma_start3A_64 = arith.constant 500 : i32
      %dma_start3A_65 = arith.constant 0 : i32
      %dma_start3A_66 = tpu.memref_slice %arg6[%dma_start3A_64, %dma_start3A_65] : memref<1000x32xf32, #tpu.memory_space<vmem>> -> memref<125x32xf32, #tpu.memory_space<vmem>>
      %dma_start3A_67 = arith.constant 0 : i32
      %dma_start3A_68 = tpu.memref_slice %arg5[%add3A_63, %dma_start3A_67] : memref<40x125xi32, #tpu.memory_space<vmem>> -> memref<1x125xi32, #tpu.memory_space<vmem>>
      %dma_start3A_69 = tpu.memref_squeeze %dma_start3A_68 : memref<1x125xi32, #tpu.memory_space<vmem>> -> memref<125xi32, #tpu.memory_space<vmem>>
      %dma_start3A_70 = arith.constant 0 : i32
      %dma_start3A_71 = arith.constant 0 : i32
      %dma_start3A_72 = tpu.memref_slice %arg2[%dma_start3A_70, %dma_start3A_71] : memref<10000x32xf32, #tpu.memory_space<hbm>> -> memref<10000x32xf32, #tpu.memory_space<hbm>>
      tpu.enqueue_indirect_dma source(%dma_start3A_72 : memref<10000x32xf32, #tpu.memory_space<hbm>>) target(%dma_start3A_66 : memref<125x32xf32, #tpu.memory_space<vmem>>) offsets(%dma_start3A_69 : memref<125xi32, #tpu.memory_space<vmem>>) semaphore(%arg7 : memref<!tpu.dma_semaphore, #tpu.memory_space<semaphore_mem>>)
      %mul3A_73 = arith.constant 8 : i32
      %mul3A_74 = arith.muli %scan3A_8, %mul3A_73 : i32
      %add3A_75 = arith.constant 5 : i32
      %add3A_76 = arith.addi %mul3A_74, %add3A_75 : i32
      %dma_start3A_77 = arith.constant 625 : i32
      %dma_start3A_78 = arith.constant 0 : i32
      %dma_start3A_79 = tpu.memref_slice %arg6[%dma_start3A_77, %dma_start3A_78] : memref<1000x32xf32, #tpu.memory_space<vmem>> -> memref<125x32xf32, #tpu.memory_space<vmem>>
      %dma_start3A_80 = arith.constant 0 : i32
      %dma_start3A_81 = tpu.memref_slice %arg5[%add3A_76, %dma_start3A_80] : memref<40x125xi32, #tpu.memory_space<vmem>> -> memref<1x125xi32, #tpu.memory_space<vmem>>
      %dma_start3A_82 = tpu.memref_squeeze %dma_start3A_81 : memref<1x125xi32, #tpu.memory_space<vmem>> -> memref<125xi32, #tpu.memory_space<vmem>>
      %dma_start3A_83 = arith.constant 0 : i32
      %dma_start3A_84 = arith.constant 0 : i32
      %dma_start3A_85 = tpu.memref_slice %arg2[%dma_start3A_83, %dma_start3A_84] : memref<10000x32xf32, #tpu.memory_space<hbm>> -> memref<10000x32xf32, #tpu.memory_space<hbm>>
      tpu.enqueue_indirect_dma source(%dma_start3A_85 : memref<10000x32xf32, #tpu.memory_space<hbm>>) target(%dma_start3A_79 : memref<125x32xf32, #tpu.memory_space<vmem>>) offsets(%dma_start3A_82 : memref<125xi32, #tpu.memory_space<vmem>>) semaphore(%arg7 : memref<!tpu.dma_semaphore, #tpu.memory_space<semaphore_mem>>)
      %mul3A_86 = arith.constant 8 : i32
      %mul3A_87 = arith.muli %scan3A_8, %mul3A_86 : i32
      %add3A_88 = arith.constant 6 : i32
      %add3A_89 = arith.addi %mul3A_87, %add3A_88 : i32
      %dma_start3A_90 = arith.constant 750 : i32
      %dma_start3A_91 = arith.constant 0 : i32
      %dma_start3A_92 = tpu.memref_slice %arg6[%dma_start3A_90, %dma_start3A_91] : memref<1000x32xf32, #tpu.memory_space<vmem>> -> memref<125x32xf32, #tpu.memory_space<vmem>>
      %dma_start3A_93 = arith.constant 0 : i32
      %dma_start3A_94 = tpu.memref_slice %arg5[%add3A_89, %dma_start3A_93] : memref<40x125xi32, #tpu.memory_space<vmem>> -> memref<1x125xi32, #tpu.memory_space<vmem>>
      %dma_start3A_95 = tpu.memref_squeeze %dma_start3A_94 : memref<1x125xi32, #tpu.memory_space<vmem>> -> memref<125xi32, #tpu.memory_space<vmem>>
      %dma_start3A_96 = arith.constant 0 : i32
      %dma_start3A_97 = arith.constant 0 : i32
      %dma_start3A_98 = tpu.memref_slice %arg2[%dma_start3A_96, %dma_start3A_97] : memref<10000x32xf32, #tpu.memory_space<hbm>> -> memref<10000x32xf32, #tpu.memory_space<hbm>>
      tpu.enqueue_indirect_dma source(%dma_start3A_98 : memref<10000x32xf32, #tpu.memory_space<hbm>>) target(%dma_start3A_92 : memref<125x32xf32, #tpu.memory_space<vmem>>) offsets(%dma_start3A_95 : memref<125xi32, #tpu.memory_space<vmem>>) semaphore(%arg7 : memref<!tpu.dma_semaphore, #tpu.memory_space<semaphore_mem>>)
      %mul3A_99 = arith.constant 8 : i32
      %mul3A_100 = arith.muli %scan3A_8, %mul3A_99 : i32
      %add3A_101 = arith.constant 7 : i32
      %add3A_102 = arith.addi %mul3A_100, %add3A_101 : i32
      %dma_start3A_103 = arith.constant 875 : i32
      %dma_start3A_104 = arith.constant 0 : i32
      %dma_start3A_105 = tpu.memref_slice %arg6[%dma_start3A_103, %dma_start3A_104] : memref<1000x32xf32, #tpu.memory_space<vmem>> -> memref<125x32xf32, #tpu.memory_space<vmem>>
      %dma_start3A_106 = arith.constant 0 : i32
      %dma_start3A_107 = tpu.memref_slice %arg5[%add3A_102, %dma_start3A_106] : memref<40x125xi32, #tpu.memory_space<vmem>> -> memref<1x125xi32, #tpu.memory_space<vmem>>
      %dma_start3A_108 = tpu.memref_squeeze %dma_start3A_107 : memref<1x125xi32, #tpu.memory_space<vmem>> -> memref<125xi32, #tpu.memory_space<vmem>>
      %dma_start3A_109 = arith.constant 0 : i32
      %dma_start3A_110 = arith.constant 0 : i32
      %dma_start3A_111 = tpu.memref_slice %arg2[%dma_start3A_109, %dma_start3A_110] : memref<10000x32xf32, #tpu.memory_space<hbm>> -> memref<10000x32xf32, #tpu.memory_space<hbm>>
      tpu.enqueue_indirect_dma source(%dma_start3A_111 : memref<10000x32xf32, #tpu.memory_space<hbm>>) target(%dma_start3A_105 : memref<125x32xf32, #tpu.memory_space<vmem>>) offsets(%dma_start3A_108 : memref<125xi32, #tpu.memory_space<vmem>>) semaphore(%arg7 : memref<!tpu.dma_semaphore, #tpu.memory_space<semaphore_mem>>)
      %dma_wait3A = arith.constant 0 : i32
      %dma_wait3A_112 = arith.constant 0 : i32
      %dma_wait3A_113 = tpu.memref_slice %arg6[%dma_wait3A, %dma_wait3A_112] : memref<1000x32xf32, #tpu.memory_space<vmem>> -> memref<125x32xf32, #tpu.memory_space<vmem>>
      %dma_wait3A_114 = arith.constant 0 : i32
      %dma_wait3A_115 = tpu.memref_slice %arg5[%add3A_12, %dma_wait3A_114] : memref<40x125xi32, #tpu.memory_space<vmem>> -> memref<1x125xi32, #tpu.memory_space<vmem>>
      %dma_wait3A_116 = tpu.memref_squeeze %dma_wait3A_115 : memref<1x125xi32, #tpu.memory_space<vmem>> -> memref<125xi32, #tpu.memory_space<vmem>>
      %dma_wait3A_117 = arith.constant 0 : i32
      %dma_wait3A_118 = arith.constant 0 : i32
      %dma_wait3A_119 = tpu.memref_slice %arg2[%dma_wait3A_117, %dma_wait3A_118] : memref<10000x32xf32, #tpu.memory_space<hbm>> -> memref<10000x32xf32, #tpu.memory_space<hbm>>
      tpu.wait_indirect_dma semaphore(%arg7 : memref<!tpu.dma_semaphore, #tpu.memory_space<semaphore_mem>>) src(%dma_wait3A_119 : memref<10000x32xf32, #tpu.memory_space<hbm>>) dst(%dma_wait3A_113 : memref<125x32xf32, #tpu.memory_space<vmem>>)
      %dma_wait3A_120 = arith.constant 125 : i32
      %dma_wait3A_121 = arith.constant 0 : i32
      %dma_wait3A_122 = tpu.memref_slice %arg6[%dma_wait3A_120, %dma_wait3A_121] : memref<1000x32xf32, #tpu.memory_space<vmem>> -> memref<125x32xf32, #tpu.memory_space<vmem>>
      %dma_wait3A_123 = arith.constant 0 : i32
      %dma_wait3A_124 = tpu.memref_slice %arg5[%add3A_24, %dma_wait3A_123] : memref<40x125xi32, #tpu.memory_space<vmem>> -> memref<1x125xi32, #tpu.memory_space<vmem>>
      %dma_wait3A_125 = tpu.memref_squeeze %dma_wait3A_124 : memref<1x125xi32, #tpu.memory_space<vmem>> -> memref<125xi32, #tpu.memory_space<vmem>>
      %dma_wait3A_126 = arith.constant 0 : i32
      %dma_wait3A_127 = arith.constant 0 : i32
      %dma_wait3A_128 = tpu.memref_slice %arg2[%dma_wait3A_126, %dma_wait3A_127] : memref<10000x32xf32, #tpu.memory_space<hbm>> -> memref<10000x32xf32, #tpu.memory_space<hbm>>
      tpu.wait_indirect_dma semaphore(%arg7 : memref<!tpu.dma_semaphore, #tpu.memory_space<semaphore_mem>>) src(%dma_wait3A_128 : memref<10000x32xf32, #tpu.memory_space<hbm>>) dst(%dma_wait3A_122 : memref<125x32xf32, #tpu.memory_space<vmem>>)
      %dma_wait3A_129 = arith.constant 250 : i32
      %dma_wait3A_130 = arith.constant 0 : i32
      %dma_wait3A_131 = tpu.memref_slice %arg6[%dma_wait3A_129, %dma_wait3A_130] : memref<1000x32xf32, #tpu.memory_space<vmem>> -> memref<125x32xf32, #tpu.memory_space<vmem>>
      %dma_wait3A_132 = arith.constant 0 : i32
      %dma_wait3A_133 = tpu.memref_slice %arg5[%add3A_37, %dma_wait3A_132] : memref<40x125xi32, #tpu.memory_space<vmem>> -> memref<1x125xi32, #tpu.memory_space<vmem>>
      %dma_wait3A_134 = tpu.memref_squeeze %dma_wait3A_133 : memref<1x125xi32, #tpu.memory_space<vmem>> -> memref<125xi32, #tpu.memory_space<vmem>>
      %dma_wait3A_135 = arith.constant 0 : i32
      %dma_wait3A_136 = arith.constant 0 : i32
      %dma_wait3A_137 = tpu.memref_slice %arg2[%dma_wait3A_135, %dma_wait3A_136] : memref<10000x32xf32, #tpu.memory_space<hbm>> -> memref<10000x32xf32, #tpu.memory_space<hbm>>
      tpu.wait_indirect_dma semaphore(%arg7 : memref<!tpu.dma_semaphore, #tpu.memory_space<semaphore_mem>>) src(%dma_wait3A_137 : memref<10000x32xf32, #tpu.memory_space<hbm>>) dst(%dma_wait3A_131 : memref<125x32xf32, #tpu.memory_space<vmem>>)
      %dma_wait3A_138 = arith.constant 375 : i32
      %dma_wait3A_139 = arith.constant 0 : i32
      %dma_wait3A_140 = tpu.memref_slice %arg6[%dma_wait3A_138, %dma_wait3A_139] : memref<1000x32xf32, #tpu.memory_space<vmem>> -> memref<125x32xf32, #tpu.memory_space<vmem>>
      %dma_wait3A_141 = arith.constant 0 : i32
      %dma_wait3A_142 = tpu.memref_slice %arg5[%add3A_50, %dma_wait3A_141] : memref<40x125xi32, #tpu.memory_space<vmem>> -> memref<1x125xi32, #tpu.memory_space<vmem>>
      %dma_wait3A_143 = tpu.memref_squeeze %dma_wait3A_142 : memref<1x125xi32, #tpu.memory_space<vmem>> -> memref<125xi32, #tpu.memory_space<vmem>>
      %dma_wait3A_144 = arith.constant 0 : i32
      %dma_wait3A_145 = arith.constant 0 : i32
      %dma_wait3A_146 = tpu.memref_slice %arg2[%dma_wait3A_144, %dma_wait3A_145] : memref<10000x32xf32, #tpu.memory_space<hbm>> -> memref<10000x32xf32, #tpu.memory_space<hbm>>
      tpu.wait_indirect_dma semaphore(%arg7 : memref<!tpu.dma_semaphore, #tpu.memory_space<semaphore_mem>>) src(%dma_wait3A_146 : memref<10000x32xf32, #tpu.memory_space<hbm>>) dst(%dma_wait3A_140 : memref<125x32xf32, #tpu.memory_space<vmem>>)
      %dma_wait3A_147 = arith.constant 500 : i32
      %dma_wait3A_148 = arith.constant 0 : i32
      %dma_wait3A_149 = tpu.memref_slice %arg6[%dma_wait3A_147, %dma_wait3A_148] : memref<1000x32xf32, #tpu.memory_space<vmem>> -> memref<125x32xf32, #tpu.memory_space<vmem>>
      %dma_wait3A_150 = arith.constant 0 : i32
      %dma_wait3A_151 = tpu.memref_slice %arg5[%add3A_63, %dma_wait3A_150] : memref<40x125xi32, #tpu.memory_space<vmem>> -> memref<1x125xi32, #tpu.memory_space<vmem>>
      %dma_wait3A_152 = tpu.memref_squeeze %dma_wait3A_151 : memref<1x125xi32, #tpu.memory_space<vmem>> -> memref<125xi32, #tpu.memory_space<vmem>>
      %dma_wait3A_153 = arith.constant 0 : i32
      %dma_wait3A_154 = arith.constant 0 : i32
      %dma_wait3A_155 = tpu.memref_slice %arg2[%dma_wait3A_153, %dma_wait3A_154] : memref<10000x32xf32, #tpu.memory_space<hbm>> -> memref<10000x32xf32, #tpu.memory_space<hbm>>
      tpu.wait_indirect_dma semaphore(%arg7 : memref<!tpu.dma_semaphore, #tpu.memory_space<semaphore_mem>>) src(%dma_wait3A_155 : memref<10000x32xf32, #tpu.memory_space<hbm>>) dst(%dma_wait3A_149 : memref<125x32xf32, #tpu.memory_space<vmem>>)
      %dma_wait3A_156 = arith.constant 625 : i32
      %dma_wait3A_157 = arith.constant 0 : i32
      %dma_wait3A_158 = tpu.memref_slice %arg6[%dma_wait3A_156, %dma_wait3A_157] : memref<1000x32xf32, #tpu.memory_space<vmem>> -> memref<125x32xf32, #tpu.memory_space<vmem>>
      %dma_wait3A_159 = arith.constant 0 : i32
      %dma_wait3A_160 = tpu.memref_slice %arg5[%add3A_76, %dma_wait3A_159] : memref<40x125xi32, #tpu.memory_space<vmem>> -> memref<1x125xi32, #tpu.memory_space<vmem>>
      %dma_wait3A_161 = tpu.memref_squeeze %dma_wait3A_160 : memref<1x125xi32, #tpu.memory_space<vmem>> -> memref<125xi32, #tpu.memory_space<vmem>>
      %dma_wait3A_162 = arith.constant 0 : i32
      %dma_wait3A_163 = arith.constant 0 : i32
      %dma_wait3A_164 = tpu.memref_slice %arg2[%dma_wait3A_162, %dma_wait3A_163] : memref<10000x32xf32, #tpu.memory_space<hbm>> -> memref<10000x32xf32, #tpu.memory_space<hbm>>
      tpu.wait_indirect_dma semaphore(%arg7 : memref<!tpu.dma_semaphore, #tpu.memory_space<semaphore_mem>>) src(%dma_wait3A_164 : memref<10000x32xf32, #tpu.memory_space<hbm>>) dst(%dma_wait3A_158 : memref<125x32xf32, #tpu.memory_space<vmem>>)
      %dma_wait3A_165 = arith.constant 750 : i32
      %dma_wait3A_166 = arith.constant 0 : i32
      %dma_wait3A_167 = tpu.memref_slice %arg6[%dma_wait3A_165, %dma_wait3A_166] : memref<1000x32xf32, #tpu.memory_space<vmem>> -> memref<125x32xf32, #tpu.memory_space<vmem>>
      %dma_wait3A_168 = arith.constant 0 : i32
      %dma_wait3A_169 = tpu.memref_slice %arg5[%add3A_89, %dma_wait3A_168] : memref<40x125xi32, #tpu.memory_space<vmem>> -> memref<1x125xi32, #tpu.memory_space<vmem>>
      %dma_wait3A_170 = tpu.memref_squeeze %dma_wait3A_169 : memref<1x125xi32, #tpu.memory_space<vmem>> -> memref<125xi32, #tpu.memory_space<vmem>>
      %dma_wait3A_171 = arith.constant 0 : i32
      %dma_wait3A_172 = arith.constant 0 : i32
      %dma_wait3A_173 = tpu.memref_slice %arg2[%dma_wait3A_171, %dma_wait3A_172] : memref<10000x32xf32, #tpu.memory_space<hbm>> -> memref<10000x32xf32, #tpu.memory_space<hbm>>
      tpu.wait_indirect_dma semaphore(%arg7 : memref<!tpu.dma_semaphore, #tpu.memory_space<semaphore_mem>>) src(%dma_wait3A_173 : memref<10000x32xf32, #tpu.memory_space<hbm>>) dst(%dma_wait3A_167 : memref<125x32xf32, #tpu.memory_space<vmem>>)
      %dma_wait3A_174 = arith.constant 875 : i32
      %dma_wait3A_175 = arith.constant 0 : i32
      %dma_wait3A_176 = tpu.memref_slice %arg6[%dma_wait3A_174, %dma_wait3A_175] : memref<1000x32xf32, #tpu.memory_space<vmem>> -> memref<125x32xf32, #tpu.memory_space<vmem>>
      %dma_wait3A_177 = arith.constant 0 : i32
      %dma_wait3A_178 = tpu.memref_slice %arg5[%add3A_102, %dma_wait3A_177] : memref<40x125xi32, #tpu.memory_space<vmem>> -> memref<1x125xi32, #tpu.memory_space<vmem>>
      %dma_wait3A_179 = tpu.memref_squeeze %dma_wait3A_178 : memref<1x125xi32, #tpu.memory_space<vmem>> -> memref<125xi32, #tpu.memory_space<vmem>>
      %dma_wait3A_180 = arith.constant 0 : i32
      %dma_wait3A_181 = arith.constant 0 : i32
      %dma_wait3A_182 = tpu.memref_slice %arg2[%dma_wait3A_180, %dma_wait3A_181] : memref<10000x32xf32, #tpu.memory_space<hbm>> -> memref<10000x32xf32, #tpu.memory_space<hbm>>
      tpu.wait_indirect_dma semaphore(%arg7 : memref<!tpu.dma_semaphore, #tpu.memory_space<semaphore_mem>>) src(%dma_wait3A_182 : memref<10000x32xf32, #tpu.memory_space<hbm>>) dst(%dma_wait3A_176 : memref<125x32xf32, #tpu.memory_space<vmem>>)
      %mul3A_183 = arith.constant 5000 : i32
      %mul3A_184 = arith.muli %add3A, %mul3A_183 : i32
      %mul3A_185 = arith.constant 1000 : i32
      %mul3A_186 = arith.muli %scan3A_8, %mul3A_185 : i32
      %add3A_187 = arith.addi %mul3A_184, %mul3A_186 : i32
      "tpu.region"() ({
        %run_scoped3A = tpu.sem_alloc : memref<!tpu.dma_semaphore, #tpu.memory_space<semaphore_mem>>
        %dma_start3A_188 = arith.constant 0 : i32
        %dma_start3A_189 = tpu.memref_slice %arg4[%add3A_187, %dma_start3A_188] : memref<160000x32xf32, #tpu.memory_space<hbm>> -> memref<1000x32xf32, #tpu.memory_space<hbm>>
        %dma_start3A_190 = arith.constant 0 : i32
        %dma_start3A_191 = tpu.memref_slice %arg4[%add3A_187, %dma_start3A_190] : memref<160000x32xf32, #tpu.memory_space<hbm>> -> memref<1000x32xf32, #tpu.memory_space<hbm>>
        tpu.enqueue_dma source(%arg6 : memref<1000x32xf32, #tpu.memory_space<vmem>>) target(%dma_start3A_191 : memref<1000x32xf32, #tpu.memory_space<hbm>>) target_semaphore(%run_scoped3A : memref<!tpu.dma_semaphore, #tpu.memory_space<semaphore_mem>>)
        %dma_wait3A_192 = arith.constant 0 : i32
        %dma_wait3A_193 = tpu.memref_slice %arg4[%add3A_187, %dma_wait3A_192] : memref<160000x32xf32, #tpu.memory_space<hbm>> -> memref<1000x32xf32, #tpu.memory_space<hbm>>
        %dma_wait3A_194 = arith.constant 0 : i32
        %dma_wait3A_195 = tpu.memref_slice %arg4[%add3A_187, %dma_wait3A_194] : memref<160000x32xf32, #tpu.memory_space<hbm>> -> memref<1000x32xf32, #tpu.memory_space<hbm>>
        tpu.wait_dma2 semaphore(%run_scoped3A : memref<!tpu.dma_semaphore, #tpu.memory_space<semaphore_mem>>) src(%arg6 : memref<1000x32xf32, #tpu.memory_space<vmem>>) dst(%dma_wait3A_195 : memref<1000x32xf32, #tpu.memory_space<hbm>>)
        tpu.yield
      }) : () -> ()
    }
    %scan3A_7 = arith.constant 5 : i32
    return
  }
}

#map = affine_map<(d0, d1) -> (0, 0)>
#map1 = affine_map<(d0, d1) -> (0, 0, 0)>
module attributes {stable_mosaic.version = 14 : i64} {
  func.func @_scatter_body(%arg0: i32, %arg1: i32, %arg2: memref<160000x48xf32, #tpu.memory_space<hbm>>, %arg3: memref<1280x125xi32, #tpu.memory_space<hbm>>, %arg4: memref<10240x48xf32, #tpu.memory_space<hbm>>, %arg5: memref<2x10240x48xf32, #tpu.memory_space<hbm>>, %arg6: memref<40x125xi32, #tpu.memory_space<vmem>>, %arg7: memref<1000x48xf32, #tpu.memory_space<vmem>>, %arg8: memref<640x48xf32, #tpu.memory_space<vmem>>, %arg9: memref<!tpu.dma_semaphore, #tpu.memory_space<semaphore_mem>>, %arg10: memref<10240x48xf32, #tpu.memory_space<vmem_shared>>) attributes {dimension_semantics = [#tpu.dimension_semantics<core_parallel>, #tpu.dimension_semantics<subcore_parallel>], iteration_bounds = array<i64: 2, 16>, scalar_prefetch = 0 : i64, scratch_operands = 5 : i64, tpu.core_type = #tpu.core_type<sc_vector_subcore>, window_params = [{transform_indices = #map}, {transform_indices = #map}, {transform_indices = #map}, {transform_indices = #map1}]} {
    %mul3A = arith.constant 16 : i32
    %mul3A_0 = arith.muli %arg0, %mul3A : i32
    %add3A = arith.addi %mul3A_0, %arg1 : i32
    %mul3A_1 = arith.constant 640 : i32
    %mul3A_2 = arith.muli %arg1, %mul3A_1 : i32
    "tpu.region"() ({
      %run_scoped3A = tpu.sem_alloc : memref<!tpu.dma_semaphore, #tpu.memory_space<semaphore_mem>>
      %dma_start3A = arith.constant 0 : i32
      %dma_start3A_17 = tpu.memref_slice %arg4[%mul3A_2, %dma_start3A] : memref<10240x48xf32, #tpu.memory_space<hbm>> -> memref<640x48xf32, #tpu.memory_space<hbm>>
      %dma_start3A_18 = arith.constant 0 : i32
      %dma_start3A_19 = tpu.memref_slice %arg4[%mul3A_2, %dma_start3A_18] : memref<10240x48xf32, #tpu.memory_space<hbm>> -> memref<640x48xf32, #tpu.memory_space<hbm>>
      tpu.enqueue_dma source(%dma_start3A_19 : memref<640x48xf32, #tpu.memory_space<hbm>>) target(%arg8 : memref<640x48xf32, #tpu.memory_space<vmem>>) target_semaphore(%run_scoped3A : memref<!tpu.dma_semaphore, #tpu.memory_space<semaphore_mem>>)
      %dma_wait3A = arith.constant 0 : i32
      %dma_wait3A_20 = tpu.memref_slice %arg4[%mul3A_2, %dma_wait3A] : memref<10240x48xf32, #tpu.memory_space<hbm>> -> memref<640x48xf32, #tpu.memory_space<hbm>>
      %dma_wait3A_21 = arith.constant 0 : i32
      %dma_wait3A_22 = tpu.memref_slice %arg4[%mul3A_2, %dma_wait3A_21] : memref<10240x48xf32, #tpu.memory_space<hbm>> -> memref<640x48xf32, #tpu.memory_space<hbm>>
      tpu.wait_dma2 semaphore(%run_scoped3A : memref<!tpu.dma_semaphore, #tpu.memory_space<semaphore_mem>>) src(%dma_wait3A_22 : memref<640x48xf32, #tpu.memory_space<hbm>>) dst(%arg8 : memref<640x48xf32, #tpu.memory_space<vmem>>)
      tpu.yield
    }) : () -> ()
    %mul3A_3 = arith.constant 640 : i32
    %mul3A_4 = arith.muli %arg1, %mul3A_3 : i32
    "tpu.region"() ({
      %run_scoped3A = tpu.sem_alloc : memref<!tpu.dma_semaphore, #tpu.memory_space<semaphore_mem>>
      %dma_start3A = arith.constant 0 : i32
      %dma_start3A_17 = tpu.memref_slice %arg10[%mul3A_4, %dma_start3A] : memref<10240x48xf32, #tpu.memory_space<vmem_shared>> -> memref<640x48xf32, #tpu.memory_space<vmem_shared>>
      %dma_start3A_18 = arith.constant 0 : i32
      %dma_start3A_19 = tpu.memref_slice %arg10[%mul3A_4, %dma_start3A_18] : memref<10240x48xf32, #tpu.memory_space<vmem_shared>> -> memref<640x48xf32, #tpu.memory_space<vmem_shared>>
      tpu.enqueue_dma source(%arg8 : memref<640x48xf32, #tpu.memory_space<vmem>>) target(%dma_start3A_19 : memref<640x48xf32, #tpu.memory_space<vmem_shared>>) target_semaphore(%run_scoped3A : memref<!tpu.dma_semaphore, #tpu.memory_space<semaphore_mem>>)
      %dma_wait3A = arith.constant 0 : i32
      %dma_wait3A_20 = tpu.memref_slice %arg10[%mul3A_4, %dma_wait3A] : memref<10240x48xf32, #tpu.memory_space<vmem_shared>> -> memref<640x48xf32, #tpu.memory_space<vmem_shared>>
      %dma_wait3A_21 = arith.constant 0 : i32
      %dma_wait3A_22 = tpu.memref_slice %arg10[%mul3A_4, %dma_wait3A_21] : memref<10240x48xf32, #tpu.memory_space<vmem_shared>> -> memref<640x48xf32, #tpu.memory_space<vmem_shared>>
      tpu.wait_dma2 semaphore(%run_scoped3A : memref<!tpu.dma_semaphore, #tpu.memory_space<semaphore_mem>>) src(%arg8 : memref<640x48xf32, #tpu.memory_space<vmem>>) dst(%dma_wait3A_22 : memref<640x48xf32, #tpu.memory_space<vmem_shared>>)
      tpu.yield
    }) : () -> ()
    %barrier3A = arith.constant 0 : index
    tpu.barrier barrier_id(%barrier3A)
    %mul3A_5 = arith.constant 40 : i32
    %mul3A_6 = arith.muli %add3A, %mul3A_5 : i32
    "tpu.region"() ({
      %run_scoped3A = tpu.sem_alloc : memref<!tpu.dma_semaphore, #tpu.memory_space<semaphore_mem>>
      %dma_start3A = arith.constant 0 : i32
      %dma_start3A_17 = tpu.memref_slice %arg3[%mul3A_6, %dma_start3A] : memref<1280x125xi32, #tpu.memory_space<hbm>> -> memref<40x125xi32, #tpu.memory_space<hbm>>
      %dma_start3A_18 = arith.constant 0 : i32
      %dma_start3A_19 = tpu.memref_slice %arg3[%mul3A_6, %dma_start3A_18] : memref<1280x125xi32, #tpu.memory_space<hbm>> -> memref<40x125xi32, #tpu.memory_space<hbm>>
      tpu.enqueue_dma source(%dma_start3A_19 : memref<40x125xi32, #tpu.memory_space<hbm>>) target(%arg6 : memref<40x125xi32, #tpu.memory_space<vmem>>) target_semaphore(%run_scoped3A : memref<!tpu.dma_semaphore, #tpu.memory_space<semaphore_mem>>)
      %dma_wait3A = arith.constant 0 : i32
      %dma_wait3A_20 = tpu.memref_slice %arg3[%mul3A_6, %dma_wait3A] : memref<1280x125xi32, #tpu.memory_space<hbm>> -> memref<40x125xi32, #tpu.memory_space<hbm>>
      %dma_wait3A_21 = arith.constant 0 : i32
      %dma_wait3A_22 = tpu.memref_slice %arg3[%mul3A_6, %dma_wait3A_21] : memref<1280x125xi32, #tpu.memory_space<hbm>> -> memref<40x125xi32, #tpu.memory_space<hbm>>
      tpu.wait_dma2 semaphore(%run_scoped3A : memref<!tpu.dma_semaphore, #tpu.memory_space<semaphore_mem>>) src(%dma_wait3A_22 : memref<40x125xi32, #tpu.memory_space<hbm>>) dst(%arg6 : memref<40x125xi32, #tpu.memory_space<vmem>>)
      tpu.yield
    }) : () -> ()
    %scan3A = arith.constant 0 : i32
    %scan3A_7 = arith.constant 0 : i32
    %scan3A_8 = arith.constant 5 : i32
    %scan3A_9 = arith.addi %scan3A_7, %scan3A_8 : i32
    %scan3A_10 = arith.constant 1 : i32
    scf.for %scan3A_17 = %scan3A_7 to %scan3A_9 step %scan3A_10  : i32 {
      %mul3A_18 = arith.constant 5000 : i32
      %mul3A_19 = arith.muli %add3A, %mul3A_18 : i32
      %mul3A_20 = arith.constant 1000 : i32
      %mul3A_21 = arith.muli %scan3A_17, %mul3A_20 : i32
      %add3A_22 = arith.addi %mul3A_19, %mul3A_21 : i32
      "tpu.region"() ({
        %run_scoped3A = tpu.sem_alloc : memref<!tpu.dma_semaphore, #tpu.memory_space<semaphore_mem>>
        %dma_start3A_197 = arith.constant 0 : i32
        %dma_start3A_198 = tpu.memref_slice %arg2[%add3A_22, %dma_start3A_197] : memref<160000x48xf32, #tpu.memory_space<hbm>> -> memref<1000x48xf32, #tpu.memory_space<hbm>>
        %dma_start3A_199 = arith.constant 0 : i32
        %dma_start3A_200 = tpu.memref_slice %arg2[%add3A_22, %dma_start3A_199] : memref<160000x48xf32, #tpu.memory_space<hbm>> -> memref<1000x48xf32, #tpu.memory_space<hbm>>
        tpu.enqueue_dma source(%dma_start3A_200 : memref<1000x48xf32, #tpu.memory_space<hbm>>) target(%arg7 : memref<1000x48xf32, #tpu.memory_space<vmem>>) target_semaphore(%run_scoped3A : memref<!tpu.dma_semaphore, #tpu.memory_space<semaphore_mem>>)
        %dma_wait3A_201 = arith.constant 0 : i32
        %dma_wait3A_202 = tpu.memref_slice %arg2[%add3A_22, %dma_wait3A_201] : memref<160000x48xf32, #tpu.memory_space<hbm>> -> memref<1000x48xf32, #tpu.memory_space<hbm>>
        %dma_wait3A_203 = arith.constant 0 : i32
        %dma_wait3A_204 = tpu.memref_slice %arg2[%add3A_22, %dma_wait3A_203] : memref<160000x48xf32, #tpu.memory_space<hbm>> -> memref<1000x48xf32, #tpu.memory_space<hbm>>
        tpu.wait_dma2 semaphore(%run_scoped3A : memref<!tpu.dma_semaphore, #tpu.memory_space<semaphore_mem>>) src(%dma_wait3A_204 : memref<1000x48xf32, #tpu.memory_space<hbm>>) dst(%arg7 : memref<1000x48xf32, #tpu.memory_space<vmem>>)
        tpu.yield
      }) : () -> ()
      %mul3A_23 = arith.constant 8 : i32
      %mul3A_24 = arith.muli %scan3A_17, %mul3A_23 : i32
      %add3A_25 = arith.constant 0 : i32
      %add3A_26 = arith.addi %mul3A_24, %add3A_25 : i32
      %dma_start3A = arith.constant 0 : i32
      %dma_start3A_27 = arith.constant 0 : i32
      %dma_start3A_28 = tpu.memref_slice %arg7[%dma_start3A, %dma_start3A_27] : memref<1000x48xf32, #tpu.memory_space<vmem>> -> memref<125x48xf32, #tpu.memory_space<vmem>>
      %dma_start3A_29 = arith.constant 0 : i32
      %dma_start3A_30 = tpu.memref_slice %arg6[%add3A_26, %dma_start3A_29] : memref<40x125xi32, #tpu.memory_space<vmem>> -> memref<1x125xi32, #tpu.memory_space<vmem>>
      %dma_start3A_31 = tpu.memref_squeeze %dma_start3A_30 : memref<1x125xi32, #tpu.memory_space<vmem>> -> memref<125xi32, #tpu.memory_space<vmem>>
      %dma_start3A_32 = arith.constant 0 : i32
      %dma_start3A_33 = arith.constant 0 : i32
      %dma_start3A_34 = tpu.memref_slice %arg10[%dma_start3A_32, %dma_start3A_33] : memref<10240x48xf32, #tpu.memory_space<vmem_shared>> -> memref<10240x48xf32, #tpu.memory_space<vmem_shared>>
      tpu.enqueue_indirect_dma source(%dma_start3A_28 : memref<125x48xf32, #tpu.memory_space<vmem>>) target(%dma_start3A_34 : memref<10240x48xf32, #tpu.memory_space<vmem_shared>>) offsets(%dma_start3A_31 : memref<125xi32, #tpu.memory_space<vmem>>) semaphore(%arg9 : memref<!tpu.dma_semaphore, #tpu.memory_space<semaphore_mem>>) {add = true}
      %mul3A_35 = arith.constant 8 : i32
      %mul3A_36 = arith.muli %scan3A_17, %mul3A_35 : i32
      %add3A_37 = arith.constant 1 : i32
      %add3A_38 = arith.addi %mul3A_36, %add3A_37 : i32
      %dma_start3A_39 = arith.constant 125 : i32
      %dma_start3A_40 = arith.constant 0 : i32
      %dma_start3A_41 = tpu.memref_slice %arg7[%dma_start3A_39, %dma_start3A_40] : memref<1000x48xf32, #tpu.memory_space<vmem>> -> memref<125x48xf32, #tpu.memory_space<vmem>>
      %dma_start3A_42 = arith.constant 0 : i32
      %dma_start3A_43 = tpu.memref_slice %arg6[%add3A_38, %dma_start3A_42] : memref<40x125xi32, #tpu.memory_space<vmem>> -> memref<1x125xi32, #tpu.memory_space<vmem>>
      %dma_start3A_44 = tpu.memref_squeeze %dma_start3A_43 : memref<1x125xi32, #tpu.memory_space<vmem>> -> memref<125xi32, #tpu.memory_space<vmem>>
      %dma_start3A_45 = arith.constant 0 : i32
      %dma_start3A_46 = arith.constant 0 : i32
      %dma_start3A_47 = tpu.memref_slice %arg10[%dma_start3A_45, %dma_start3A_46] : memref<10240x48xf32, #tpu.memory_space<vmem_shared>> -> memref<10240x48xf32, #tpu.memory_space<vmem_shared>>
      tpu.enqueue_indirect_dma source(%dma_start3A_41 : memref<125x48xf32, #tpu.memory_space<vmem>>) target(%dma_start3A_47 : memref<10240x48xf32, #tpu.memory_space<vmem_shared>>) offsets(%dma_start3A_44 : memref<125xi32, #tpu.memory_space<vmem>>) semaphore(%arg9 : memref<!tpu.dma_semaphore, #tpu.memory_space<semaphore_mem>>) {add = true}
      %mul3A_48 = arith.constant 8 : i32
      %mul3A_49 = arith.muli %scan3A_17, %mul3A_48 : i32
      %add3A_50 = arith.constant 2 : i32
      %add3A_51 = arith.addi %mul3A_49, %add3A_50 : i32
      %dma_start3A_52 = arith.constant 250 : i32
      %dma_start3A_53 = arith.constant 0 : i32
      %dma_start3A_54 = tpu.memref_slice %arg7[%dma_start3A_52, %dma_start3A_53] : memref<1000x48xf32, #tpu.memory_space<vmem>> -> memref<125x48xf32, #tpu.memory_space<vmem>>
      %dma_start3A_55 = arith.constant 0 : i32
      %dma_start3A_56 = tpu.memref_slice %arg6[%add3A_51, %dma_start3A_55] : memref<40x125xi32, #tpu.memory_space<vmem>> -> memref<1x125xi32, #tpu.memory_space<vmem>>
      %dma_start3A_57 = tpu.memref_squeeze %dma_start3A_56 : memref<1x125xi32, #tpu.memory_space<vmem>> -> memref<125xi32, #tpu.memory_space<vmem>>
      %dma_start3A_58 = arith.constant 0 : i32
      %dma_start3A_59 = arith.constant 0 : i32
      %dma_start3A_60 = tpu.memref_slice %arg10[%dma_start3A_58, %dma_start3A_59] : memref<10240x48xf32, #tpu.memory_space<vmem_shared>> -> memref<10240x48xf32, #tpu.memory_space<vmem_shared>>
      tpu.enqueue_indirect_dma source(%dma_start3A_54 : memref<125x48xf32, #tpu.memory_space<vmem>>) target(%dma_start3A_60 : memref<10240x48xf32, #tpu.memory_space<vmem_shared>>) offsets(%dma_start3A_57 : memref<125xi32, #tpu.memory_space<vmem>>) semaphore(%arg9 : memref<!tpu.dma_semaphore, #tpu.memory_space<semaphore_mem>>) {add = true}
      %mul3A_61 = arith.constant 8 : i32
      %mul3A_62 = arith.muli %scan3A_17, %mul3A_61 : i32
      %add3A_63 = arith.constant 3 : i32
      %add3A_64 = arith.addi %mul3A_62, %add3A_63 : i32
      %dma_start3A_65 = arith.constant 375 : i32
      %dma_start3A_66 = arith.constant 0 : i32
      %dma_start3A_67 = tpu.memref_slice %arg7[%dma_start3A_65, %dma_start3A_66] : memref<1000x48xf32, #tpu.memory_space<vmem>> -> memref<125x48xf32, #tpu.memory_space<vmem>>
      %dma_start3A_68 = arith.constant 0 : i32
      %dma_start3A_69 = tpu.memref_slice %arg6[%add3A_64, %dma_start3A_68] : memref<40x125xi32, #tpu.memory_space<vmem>> -> memref<1x125xi32, #tpu.memory_space<vmem>>
      %dma_start3A_70 = tpu.memref_squeeze %dma_start3A_69 : memref<1x125xi32, #tpu.memory_space<vmem>> -> memref<125xi32, #tpu.memory_space<vmem>>
      %dma_start3A_71 = arith.constant 0 : i32
      %dma_start3A_72 = arith.constant 0 : i32
      %dma_start3A_73 = tpu.memref_slice %arg10[%dma_start3A_71, %dma_start3A_72] : memref<10240x48xf32, #tpu.memory_space<vmem_shared>> -> memref<10240x48xf32, #tpu.memory_space<vmem_shared>>
      tpu.enqueue_indirect_dma source(%dma_start3A_67 : memref<125x48xf32, #tpu.memory_space<vmem>>) target(%dma_start3A_73 : memref<10240x48xf32, #tpu.memory_space<vmem_shared>>) offsets(%dma_start3A_70 : memref<125xi32, #tpu.memory_space<vmem>>) semaphore(%arg9 : memref<!tpu.dma_semaphore, #tpu.memory_space<semaphore_mem>>) {add = true}
      %mul3A_74 = arith.constant 8 : i32
      %mul3A_75 = arith.muli %scan3A_17, %mul3A_74 : i32
      %add3A_76 = arith.constant 4 : i32
      %add3A_77 = arith.addi %mul3A_75, %add3A_76 : i32
      %dma_start3A_78 = arith.constant 500 : i32
      %dma_start3A_79 = arith.constant 0 : i32
      %dma_start3A_80 = tpu.memref_slice %arg7[%dma_start3A_78, %dma_start3A_79] : memref<1000x48xf32, #tpu.memory_space<vmem>> -> memref<125x48xf32, #tpu.memory_space<vmem>>
      %dma_start3A_81 = arith.constant 0 : i32
      %dma_start3A_82 = tpu.memref_slice %arg6[%add3A_77, %dma_start3A_81] : memref<40x125xi32, #tpu.memory_space<vmem>> -> memref<1x125xi32, #tpu.memory_space<vmem>>
      %dma_start3A_83 = tpu.memref_squeeze %dma_start3A_82 : memref<1x125xi32, #tpu.memory_space<vmem>> -> memref<125xi32, #tpu.memory_space<vmem>>
      %dma_start3A_84 = arith.constant 0 : i32
      %dma_start3A_85 = arith.constant 0 : i32
      %dma_start3A_86 = tpu.memref_slice %arg10[%dma_start3A_84, %dma_start3A_85] : memref<10240x48xf32, #tpu.memory_space<vmem_shared>> -> memref<10240x48xf32, #tpu.memory_space<vmem_shared>>
      tpu.enqueue_indirect_dma source(%dma_start3A_80 : memref<125x48xf32, #tpu.memory_space<vmem>>) target(%dma_start3A_86 : memref<10240x48xf32, #tpu.memory_space<vmem_shared>>) offsets(%dma_start3A_83 : memref<125xi32, #tpu.memory_space<vmem>>) semaphore(%arg9 : memref<!tpu.dma_semaphore, #tpu.memory_space<semaphore_mem>>) {add = true}
      %mul3A_87 = arith.constant 8 : i32
      %mul3A_88 = arith.muli %scan3A_17, %mul3A_87 : i32
      %add3A_89 = arith.constant 5 : i32
      %add3A_90 = arith.addi %mul3A_88, %add3A_89 : i32
      %dma_start3A_91 = arith.constant 625 : i32
      %dma_start3A_92 = arith.constant 0 : i32
      %dma_start3A_93 = tpu.memref_slice %arg7[%dma_start3A_91, %dma_start3A_92] : memref<1000x48xf32, #tpu.memory_space<vmem>> -> memref<125x48xf32, #tpu.memory_space<vmem>>
      %dma_start3A_94 = arith.constant 0 : i32
      %dma_start3A_95 = tpu.memref_slice %arg6[%add3A_90, %dma_start3A_94] : memref<40x125xi32, #tpu.memory_space<vmem>> -> memref<1x125xi32, #tpu.memory_space<vmem>>
      %dma_start3A_96 = tpu.memref_squeeze %dma_start3A_95 : memref<1x125xi32, #tpu.memory_space<vmem>> -> memref<125xi32, #tpu.memory_space<vmem>>
      %dma_start3A_97 = arith.constant 0 : i32
      %dma_start3A_98 = arith.constant 0 : i32
      %dma_start3A_99 = tpu.memref_slice %arg10[%dma_start3A_97, %dma_start3A_98] : memref<10240x48xf32, #tpu.memory_space<vmem_shared>> -> memref<10240x48xf32, #tpu.memory_space<vmem_shared>>
      tpu.enqueue_indirect_dma source(%dma_start3A_93 : memref<125x48xf32, #tpu.memory_space<vmem>>) target(%dma_start3A_99 : memref<10240x48xf32, #tpu.memory_space<vmem_shared>>) offsets(%dma_start3A_96 : memref<125xi32, #tpu.memory_space<vmem>>) semaphore(%arg9 : memref<!tpu.dma_semaphore, #tpu.memory_space<semaphore_mem>>) {add = true}
      %mul3A_100 = arith.constant 8 : i32
      %mul3A_101 = arith.muli %scan3A_17, %mul3A_100 : i32
      %add3A_102 = arith.constant 6 : i32
      %add3A_103 = arith.addi %mul3A_101, %add3A_102 : i32
      %dma_start3A_104 = arith.constant 750 : i32
      %dma_start3A_105 = arith.constant 0 : i32
      %dma_start3A_106 = tpu.memref_slice %arg7[%dma_start3A_104, %dma_start3A_105] : memref<1000x48xf32, #tpu.memory_space<vmem>> -> memref<125x48xf32, #tpu.memory_space<vmem>>
      %dma_start3A_107 = arith.constant 0 : i32
      %dma_start3A_108 = tpu.memref_slice %arg6[%add3A_103, %dma_start3A_107] : memref<40x125xi32, #tpu.memory_space<vmem>> -> memref<1x125xi32, #tpu.memory_space<vmem>>
      %dma_start3A_109 = tpu.memref_squeeze %dma_start3A_108 : memref<1x125xi32, #tpu.memory_space<vmem>> -> memref<125xi32, #tpu.memory_space<vmem>>
      %dma_start3A_110 = arith.constant 0 : i32
      %dma_start3A_111 = arith.constant 0 : i32
      %dma_start3A_112 = tpu.memref_slice %arg10[%dma_start3A_110, %dma_start3A_111] : memref<10240x48xf32, #tpu.memory_space<vmem_shared>> -> memref<10240x48xf32, #tpu.memory_space<vmem_shared>>
      tpu.enqueue_indirect_dma source(%dma_start3A_106 : memref<125x48xf32, #tpu.memory_space<vmem>>) target(%dma_start3A_112 : memref<10240x48xf32, #tpu.memory_space<vmem_shared>>) offsets(%dma_start3A_109 : memref<125xi32, #tpu.memory_space<vmem>>) semaphore(%arg9 : memref<!tpu.dma_semaphore, #tpu.memory_space<semaphore_mem>>) {add = true}
      %mul3A_113 = arith.constant 8 : i32
      %mul3A_114 = arith.muli %scan3A_17, %mul3A_113 : i32
      %add3A_115 = arith.constant 7 : i32
      %add3A_116 = arith.addi %mul3A_114, %add3A_115 : i32
      %dma_start3A_117 = arith.constant 875 : i32
      %dma_start3A_118 = arith.constant 0 : i32
      %dma_start3A_119 = tpu.memref_slice %arg7[%dma_start3A_117, %dma_start3A_118] : memref<1000x48xf32, #tpu.memory_space<vmem>> -> memref<125x48xf32, #tpu.memory_space<vmem>>
      %dma_start3A_120 = arith.constant 0 : i32
      %dma_start3A_121 = tpu.memref_slice %arg6[%add3A_116, %dma_start3A_120] : memref<40x125xi32, #tpu.memory_space<vmem>> -> memref<1x125xi32, #tpu.memory_space<vmem>>
      %dma_start3A_122 = tpu.memref_squeeze %dma_start3A_121 : memref<1x125xi32, #tpu.memory_space<vmem>> -> memref<125xi32, #tpu.memory_space<vmem>>
      %dma_start3A_123 = arith.constant 0 : i32
      %dma_start3A_124 = arith.constant 0 : i32
      %dma_start3A_125 = tpu.memref_slice %arg10[%dma_start3A_123, %dma_start3A_124] : memref<10240x48xf32, #tpu.memory_space<vmem_shared>> -> memref<10240x48xf32, #tpu.memory_space<vmem_shared>>
      tpu.enqueue_indirect_dma source(%dma_start3A_119 : memref<125x48xf32, #tpu.memory_space<vmem>>) target(%dma_start3A_125 : memref<10240x48xf32, #tpu.memory_space<vmem_shared>>) offsets(%dma_start3A_122 : memref<125xi32, #tpu.memory_space<vmem>>) semaphore(%arg9 : memref<!tpu.dma_semaphore, #tpu.memory_space<semaphore_mem>>) {add = true}
      %dma_wait3A = arith.constant 0 : i32
      %dma_wait3A_126 = arith.constant 0 : i32
      %dma_wait3A_127 = tpu.memref_slice %arg7[%dma_wait3A, %dma_wait3A_126] : memref<1000x48xf32, #tpu.memory_space<vmem>> -> memref<125x48xf32, #tpu.memory_space<vmem>>
      %dma_wait3A_128 = arith.constant 0 : i32
      %dma_wait3A_129 = tpu.memref_slice %arg6[%add3A_26, %dma_wait3A_128] : memref<40x125xi32, #tpu.memory_space<vmem>> -> memref<1x125xi32, #tpu.memory_space<vmem>>
      %dma_wait3A_130 = tpu.memref_squeeze %dma_wait3A_129 : memref<1x125xi32, #tpu.memory_space<vmem>> -> memref<125xi32, #tpu.memory_space<vmem>>
      %dma_wait3A_131 = arith.constant 0 : i32
      %dma_wait3A_132 = arith.constant 0 : i32
      %dma_wait3A_133 = tpu.memref_slice %arg10[%dma_wait3A_131, %dma_wait3A_132] : memref<10240x48xf32, #tpu.memory_space<vmem_shared>> -> memref<10240x48xf32, #tpu.memory_space<vmem_shared>>
      tpu.wait_indirect_dma semaphore(%arg9 : memref<!tpu.dma_semaphore, #tpu.memory_space<semaphore_mem>>) src(%dma_wait3A_127 : memref<125x48xf32, #tpu.memory_space<vmem>>) dst(%dma_wait3A_133 : memref<10240x48xf32, #tpu.memory_space<vmem_shared>>)
      %dma_wait3A_134 = arith.constant 125 : i32
      %dma_wait3A_135 = arith.constant 0 : i32
      %dma_wait3A_136 = tpu.memref_slice %arg7[%dma_wait3A_134, %dma_wait3A_135] : memref<1000x48xf32, #tpu.memory_space<vmem>> -> memref<125x48xf32, #tpu.memory_space<vmem>>
      %dma_wait3A_137 = arith.constant 0 : i32
      %dma_wait3A_138 = tpu.memref_slice %arg6[%add3A_38, %dma_wait3A_137] : memref<40x125xi32, #tpu.memory_space<vmem>> -> memref<1x125xi32, #tpu.memory_space<vmem>>
      %dma_wait3A_139 = tpu.memref_squeeze %dma_wait3A_138 : memref<1x125xi32, #tpu.memory_space<vmem>> -> memref<125xi32, #tpu.memory_space<vmem>>
      %dma_wait3A_140 = arith.constant 0 : i32
      %dma_wait3A_141 = arith.constant 0 : i32
      %dma_wait3A_142 = tpu.memref_slice %arg10[%dma_wait3A_140, %dma_wait3A_141] : memref<10240x48xf32, #tpu.memory_space<vmem_shared>> -> memref<10240x48xf32, #tpu.memory_space<vmem_shared>>
      tpu.wait_indirect_dma semaphore(%arg9 : memref<!tpu.dma_semaphore, #tpu.memory_space<semaphore_mem>>) src(%dma_wait3A_136 : memref<125x48xf32, #tpu.memory_space<vmem>>) dst(%dma_wait3A_142 : memref<10240x48xf32, #tpu.memory_space<vmem_shared>>)
      %dma_wait3A_143 = arith.constant 250 : i32
      %dma_wait3A_144 = arith.constant 0 : i32
      %dma_wait3A_145 = tpu.memref_slice %arg7[%dma_wait3A_143, %dma_wait3A_144] : memref<1000x48xf32, #tpu.memory_space<vmem>> -> memref<125x48xf32, #tpu.memory_space<vmem>>
      %dma_wait3A_146 = arith.constant 0 : i32
      %dma_wait3A_147 = tpu.memref_slice %arg6[%add3A_51, %dma_wait3A_146] : memref<40x125xi32, #tpu.memory_space<vmem>> -> memref<1x125xi32, #tpu.memory_space<vmem>>
      %dma_wait3A_148 = tpu.memref_squeeze %dma_wait3A_147 : memref<1x125xi32, #tpu.memory_space<vmem>> -> memref<125xi32, #tpu.memory_space<vmem>>
      %dma_wait3A_149 = arith.constant 0 : i32
      %dma_wait3A_150 = arith.constant 0 : i32
      %dma_wait3A_151 = tpu.memref_slice %arg10[%dma_wait3A_149, %dma_wait3A_150] : memref<10240x48xf32, #tpu.memory_space<vmem_shared>> -> memref<10240x48xf32, #tpu.memory_space<vmem_shared>>
      tpu.wait_indirect_dma semaphore(%arg9 : memref<!tpu.dma_semaphore, #tpu.memory_space<semaphore_mem>>) src(%dma_wait3A_145 : memref<125x48xf32, #tpu.memory_space<vmem>>) dst(%dma_wait3A_151 : memref<10240x48xf32, #tpu.memory_space<vmem_shared>>)
      %dma_wait3A_152 = arith.constant 375 : i32
      %dma_wait3A_153 = arith.constant 0 : i32
      %dma_wait3A_154 = tpu.memref_slice %arg7[%dma_wait3A_152, %dma_wait3A_153] : memref<1000x48xf32, #tpu.memory_space<vmem>> -> memref<125x48xf32, #tpu.memory_space<vmem>>
      %dma_wait3A_155 = arith.constant 0 : i32
      %dma_wait3A_156 = tpu.memref_slice %arg6[%add3A_64, %dma_wait3A_155] : memref<40x125xi32, #tpu.memory_space<vmem>> -> memref<1x125xi32, #tpu.memory_space<vmem>>
      %dma_wait3A_157 = tpu.memref_squeeze %dma_wait3A_156 : memref<1x125xi32, #tpu.memory_space<vmem>> -> memref<125xi32, #tpu.memory_space<vmem>>
      %dma_wait3A_158 = arith.constant 0 : i32
      %dma_wait3A_159 = arith.constant 0 : i32
      %dma_wait3A_160 = tpu.memref_slice %arg10[%dma_wait3A_158, %dma_wait3A_159] : memref<10240x48xf32, #tpu.memory_space<vmem_shared>> -> memref<10240x48xf32, #tpu.memory_space<vmem_shared>>
      tpu.wait_indirect_dma semaphore(%arg9 : memref<!tpu.dma_semaphore, #tpu.memory_space<semaphore_mem>>) src(%dma_wait3A_154 : memref<125x48xf32, #tpu.memory_space<vmem>>) dst(%dma_wait3A_160 : memref<10240x48xf32, #tpu.memory_space<vmem_shared>>)
      %dma_wait3A_161 = arith.constant 500 : i32
      %dma_wait3A_162 = arith.constant 0 : i32
      %dma_wait3A_163 = tpu.memref_slice %arg7[%dma_wait3A_161, %dma_wait3A_162] : memref<1000x48xf32, #tpu.memory_space<vmem>> -> memref<125x48xf32, #tpu.memory_space<vmem>>
      %dma_wait3A_164 = arith.constant 0 : i32
      %dma_wait3A_165 = tpu.memref_slice %arg6[%add3A_77, %dma_wait3A_164] : memref<40x125xi32, #tpu.memory_space<vmem>> -> memref<1x125xi32, #tpu.memory_space<vmem>>
      %dma_wait3A_166 = tpu.memref_squeeze %dma_wait3A_165 : memref<1x125xi32, #tpu.memory_space<vmem>> -> memref<125xi32, #tpu.memory_space<vmem>>
      %dma_wait3A_167 = arith.constant 0 : i32
      %dma_wait3A_168 = arith.constant 0 : i32
      %dma_wait3A_169 = tpu.memref_slice %arg10[%dma_wait3A_167, %dma_wait3A_168] : memref<10240x48xf32, #tpu.memory_space<vmem_shared>> -> memref<10240x48xf32, #tpu.memory_space<vmem_shared>>
      tpu.wait_indirect_dma semaphore(%arg9 : memref<!tpu.dma_semaphore, #tpu.memory_space<semaphore_mem>>) src(%dma_wait3A_163 : memref<125x48xf32, #tpu.memory_space<vmem>>) dst(%dma_wait3A_169 : memref<10240x48xf32, #tpu.memory_space<vmem_shared>>)
      %dma_wait3A_170 = arith.constant 625 : i32
      %dma_wait3A_171 = arith.constant 0 : i32
      %dma_wait3A_172 = tpu.memref_slice %arg7[%dma_wait3A_170, %dma_wait3A_171] : memref<1000x48xf32, #tpu.memory_space<vmem>> -> memref<125x48xf32, #tpu.memory_space<vmem>>
      %dma_wait3A_173 = arith.constant 0 : i32
      %dma_wait3A_174 = tpu.memref_slice %arg6[%add3A_90, %dma_wait3A_173] : memref<40x125xi32, #tpu.memory_space<vmem>> -> memref<1x125xi32, #tpu.memory_space<vmem>>
      %dma_wait3A_175 = tpu.memref_squeeze %dma_wait3A_174 : memref<1x125xi32, #tpu.memory_space<vmem>> -> memref<125xi32, #tpu.memory_space<vmem>>
      %dma_wait3A_176 = arith.constant 0 : i32
      %dma_wait3A_177 = arith.constant 0 : i32
      %dma_wait3A_178 = tpu.memref_slice %arg10[%dma_wait3A_176, %dma_wait3A_177] : memref<10240x48xf32, #tpu.memory_space<vmem_shared>> -> memref<10240x48xf32, #tpu.memory_space<vmem_shared>>
      tpu.wait_indirect_dma semaphore(%arg9 : memref<!tpu.dma_semaphore, #tpu.memory_space<semaphore_mem>>) src(%dma_wait3A_172 : memref<125x48xf32, #tpu.memory_space<vmem>>) dst(%dma_wait3A_178 : memref<10240x48xf32, #tpu.memory_space<vmem_shared>>)
      %dma_wait3A_179 = arith.constant 750 : i32
      %dma_wait3A_180 = arith.constant 0 : i32
      %dma_wait3A_181 = tpu.memref_slice %arg7[%dma_wait3A_179, %dma_wait3A_180] : memref<1000x48xf32, #tpu.memory_space<vmem>> -> memref<125x48xf32, #tpu.memory_space<vmem>>
      %dma_wait3A_182 = arith.constant 0 : i32
      %dma_wait3A_183 = tpu.memref_slice %arg6[%add3A_103, %dma_wait3A_182] : memref<40x125xi32, #tpu.memory_space<vmem>> -> memref<1x125xi32, #tpu.memory_space<vmem>>
      %dma_wait3A_184 = tpu.memref_squeeze %dma_wait3A_183 : memref<1x125xi32, #tpu.memory_space<vmem>> -> memref<125xi32, #tpu.memory_space<vmem>>
      %dma_wait3A_185 = arith.constant 0 : i32
      %dma_wait3A_186 = arith.constant 0 : i32
      %dma_wait3A_187 = tpu.memref_slice %arg10[%dma_wait3A_185, %dma_wait3A_186] : memref<10240x48xf32, #tpu.memory_space<vmem_shared>> -> memref<10240x48xf32, #tpu.memory_space<vmem_shared>>
      tpu.wait_indirect_dma semaphore(%arg9 : memref<!tpu.dma_semaphore, #tpu.memory_space<semaphore_mem>>) src(%dma_wait3A_181 : memref<125x48xf32, #tpu.memory_space<vmem>>) dst(%dma_wait3A_187 : memref<10240x48xf32, #tpu.memory_space<vmem_shared>>)
      %dma_wait3A_188 = arith.constant 875 : i32
      %dma_wait3A_189 = arith.constant 0 : i32
      %dma_wait3A_190 = tpu.memref_slice %arg7[%dma_wait3A_188, %dma_wait3A_189] : memref<1000x48xf32, #tpu.memory_space<vmem>> -> memref<125x48xf32, #tpu.memory_space<vmem>>
      %dma_wait3A_191 = arith.constant 0 : i32
      %dma_wait3A_192 = tpu.memref_slice %arg6[%add3A_116, %dma_wait3A_191] : memref<40x125xi32, #tpu.memory_space<vmem>> -> memref<1x125xi32, #tpu.memory_space<vmem>>
      %dma_wait3A_193 = tpu.memref_squeeze %dma_wait3A_192 : memref<1x125xi32, #tpu.memory_space<vmem>> -> memref<125xi32, #tpu.memory_space<vmem>>
      %dma_wait3A_194 = arith.constant 0 : i32
      %dma_wait3A_195 = arith.constant 0 : i32
      %dma_wait3A_196 = tpu.memref_slice %arg10[%dma_wait3A_194, %dma_wait3A_195] : memref<10240x48xf32, #tpu.memory_space<vmem_shared>> -> memref<10240x48xf32, #tpu.memory_space<vmem_shared>>
      tpu.wait_indirect_dma semaphore(%arg9 : memref<!tpu.dma_semaphore, #tpu.memory_space<semaphore_mem>>) src(%dma_wait3A_190 : memref<125x48xf32, #tpu.memory_space<vmem>>) dst(%dma_wait3A_196 : memref<10240x48xf32, #tpu.memory_space<vmem_shared>>)
    }
    %scan3A_11 = arith.constant 5 : i32
    %barrier3A_12 = arith.constant 0 : index
    tpu.barrier barrier_id(%barrier3A_12)
    %mul3A_13 = arith.constant 640 : i32
    %mul3A_14 = arith.muli %arg1, %mul3A_13 : i32
    "tpu.region"() ({
      %run_scoped3A = tpu.sem_alloc : memref<!tpu.dma_semaphore, #tpu.memory_space<semaphore_mem>>
      %dma_start3A = arith.constant 0 : i32
      %dma_start3A_17 = tpu.memref_slice %arg10[%mul3A_14, %dma_start3A] : memref<10240x48xf32, #tpu.memory_space<vmem_shared>> -> memref<640x48xf32, #tpu.memory_space<vmem_shared>>
      %dma_start3A_18 = arith.constant 0 : i32
      %dma_start3A_19 = tpu.memref_slice %arg10[%mul3A_14, %dma_start3A_18] : memref<10240x48xf32, #tpu.memory_space<vmem_shared>> -> memref<640x48xf32, #tpu.memory_space<vmem_shared>>
      tpu.enqueue_dma source(%dma_start3A_19 : memref<640x48xf32, #tpu.memory_space<vmem_shared>>) target(%arg8 : memref<640x48xf32, #tpu.memory_space<vmem>>) target_semaphore(%run_scoped3A : memref<!tpu.dma_semaphore, #tpu.memory_space<semaphore_mem>>)
      %dma_wait3A = arith.constant 0 : i32
      %dma_wait3A_20 = tpu.memref_slice %arg10[%mul3A_14, %dma_wait3A] : memref<10240x48xf32, #tpu.memory_space<vmem_shared>> -> memref<640x48xf32, #tpu.memory_space<vmem_shared>>
      %dma_wait3A_21 = arith.constant 0 : i32
      %dma_wait3A_22 = tpu.memref_slice %arg10[%mul3A_14, %dma_wait3A_21] : memref<10240x48xf32, #tpu.memory_space<vmem_shared>> -> memref<640x48xf32, #tpu.memory_space<vmem_shared>>
      tpu.wait_dma2 semaphore(%run_scoped3A : memref<!tpu.dma_semaphore, #tpu.memory_space<semaphore_mem>>) src(%dma_wait3A_22 : memref<640x48xf32, #tpu.memory_space<vmem_shared>>) dst(%arg8 : memref<640x48xf32, #tpu.memory_space<vmem>>)
      tpu.yield
    }) : () -> ()
    %mul3A_15 = arith.constant 640 : i32
    %mul3A_16 = arith.muli %arg1, %mul3A_15 : i32
    "tpu.region"() ({
      %run_scoped3A = tpu.sem_alloc : memref<!tpu.dma_semaphore, #tpu.memory_space<semaphore_mem>>
      %dma_start3A = arith.constant 0 : i32
      %dma_start3A_17 = tpu.memref_slice %arg5[%arg0, %mul3A_16, %dma_start3A] : memref<2x10240x48xf32, #tpu.memory_space<hbm>> -> memref<1x640x48xf32, #tpu.memory_space<hbm>>
      %dma_start3A_18 = tpu.memref_squeeze %dma_start3A_17 : memref<1x640x48xf32, #tpu.memory_space<hbm>> -> memref<640x48xf32, #tpu.memory_space<hbm>>
      %dma_start3A_19 = arith.constant 0 : i32
      %dma_start3A_20 = tpu.memref_slice %arg5[%arg0, %mul3A_16, %dma_start3A_19] : memref<2x10240x48xf32, #tpu.memory_space<hbm>> -> memref<1x640x48xf32, #tpu.memory_space<hbm>>
      %dma_start3A_21 = tpu.memref_squeeze %dma_start3A_20 : memref<1x640x48xf32, #tpu.memory_space<hbm>> -> memref<640x48xf32, #tpu.memory_space<hbm>>
      tpu.enqueue_dma source(%arg8 : memref<640x48xf32, #tpu.memory_space<vmem>>) target(%dma_start3A_21 : memref<640x48xf32, #tpu.memory_space<hbm>>) target_semaphore(%run_scoped3A : memref<!tpu.dma_semaphore, #tpu.memory_space<semaphore_mem>>)
      %dma_wait3A = arith.constant 0 : i32
      %dma_wait3A_22 = tpu.memref_slice %arg5[%arg0, %mul3A_16, %dma_wait3A] : memref<2x10240x48xf32, #tpu.memory_space<hbm>> -> memref<1x640x48xf32, #tpu.memory_space<hbm>>
      %dma_wait3A_23 = tpu.memref_squeeze %dma_wait3A_22 : memref<1x640x48xf32, #tpu.memory_space<hbm>> -> memref<640x48xf32, #tpu.memory_space<hbm>>
      %dma_wait3A_24 = arith.constant 0 : i32
      %dma_wait3A_25 = tpu.memref_slice %arg5[%arg0, %mul3A_16, %dma_wait3A_24] : memref<2x10240x48xf32, #tpu.memory_space<hbm>> -> memref<1x640x48xf32, #tpu.memory_space<hbm>>
      %dma_wait3A_26 = tpu.memref_squeeze %dma_wait3A_25 : memref<1x640x48xf32, #tpu.memory_space<hbm>> -> memref<640x48xf32, #tpu.memory_space<hbm>>
      tpu.wait_dma2 semaphore(%run_scoped3A : memref<!tpu.dma_semaphore, #tpu.memory_space<semaphore_mem>>) src(%arg8 : memref<640x48xf32, #tpu.memory_space<vmem>>) dst(%dma_wait3A_26 : memref<640x48xf32, #tpu.memory_space<hbm>>)
      tpu.yield
    }) : () -> ()
    return
  }
}

module attributes {stable_mosaic.version = 14 : i64} {
  func.func @_msg_body(%arg0: i32, %arg1: memref<2000x32xf32, #tpu.memory_space<vmem>>, %arg2: memref<2000x16xf32, #tpu.memory_space<vmem>>, %arg3: memref<32x544xf32, #tpu.memory_space<vmem>>, %arg4: memref<16x512xf32, #tpu.memory_space<vmem>>, %arg5: memref<2000x48xf32, #tpu.memory_space<vmem>>) attributes {dimension_semantics = [#tpu.dimension_semantics<arbitrary>], iteration_bounds = array<i64: 80>, scalar_prefetch = 0 : i64, scratch_operands = 0 : i64, tpu.core_type = #tpu.core_type<tc>, window_params = [{transform_indices = @transform_0, window_bounds = array<i64: 2000, 32>}, {transform_indices = @transform_1, window_bounds = array<i64: 2000, 16>}, {pipeline_mode = #tpu.pipeline_mode<synchronous>, transform_indices = @transform_2, window_bounds = array<i64: 32, 544>}, {pipeline_mode = #tpu.pipeline_mode<synchronous>, transform_indices = @transform_3, window_bounds = array<i64: 16, 512>}, {transform_indices = @transform_4, window_bounds = array<i64: 2000, 48>}]} {
    %get3A = arith.constant 0 : index
    %get3A_0 = arith.constant 0 : index
    %get3A_1 = vector.load %arg1[%get3A, %get3A_0] : memref<2000x32xf32, #tpu.memory_space<vmem>>, vector<2000x32xf32>
    %convert_element_type3A = arith.truncf %get3A_1 : vector<2000x32xf32> to vector<2000x32xbf16>
    %get3A_2 = arith.constant 0 : index
    %get3A_3 = arith.constant 0 : index
    %get3A_4 = vector.load %arg3[%get3A_2, %get3A_3] : memref<32x544xf32, #tpu.memory_space<vmem>>, vector<32x544xf32>
    %convert_element_type3A_5 = arith.truncf %get3A_4 : vector<32x544xf32> to vector<32x544xbf16>
    %dot_general3A = arith.constant dense<0.000000e+00> : vector<2000x544xf32>
    %dot_general3A_6 = tpu.matmul %convert_element_type3A, %convert_element_type3A_5, %dot_general3A {dimension_numbers = #tpu.dot_dimension_numbers<[1], [0], [0], [1], [0, 0, 1, 1], [], []>, transpose_lhs_hint = false} : vector<2000x32xbf16>, vector<32x544xbf16>, vector<2000x544xf32> -> vector<2000x544xf32>
    %get3A_7 = arith.constant 0 : index
    %get3A_8 = arith.constant 0 : index
    %get3A_9 = vector.load %arg2[%get3A_7, %get3A_8] : memref<2000x16xf32, #tpu.memory_space<vmem>>, vector<2000x16xf32>
    %convert_element_type3A_10 = arith.truncf %get3A_9 : vector<2000x16xf32> to vector<2000x16xbf16>
    %get3A_11 = arith.constant 0 : index
    %get3A_12 = arith.constant 0 : index
    %get3A_13 = vector.load %arg4[%get3A_11, %get3A_12] : memref<16x512xf32, #tpu.memory_space<vmem>>, vector<16x512xf32>
    %convert_element_type3A_14 = arith.truncf %get3A_13 : vector<16x512xf32> to vector<16x512xbf16>
    %dot_general3A_15 = arith.constant dense<0.000000e+00> : vector<2000x512xf32>
    %dot_general3A_16 = tpu.matmul %convert_element_type3A_10, %convert_element_type3A_14, %dot_general3A_15 {dimension_numbers = #tpu.dot_dimension_numbers<[1], [0], [0], [1], [0, 0, 1, 1], [], []>, transpose_lhs_hint = false} : vector<2000x16xbf16>, vector<16x512xbf16>, vector<2000x512xf32> -> vector<2000x512xf32>
    %slice3A = vector.extract_strided_slice %dot_general3A_6 {offsets = [0, 0], sizes = [2000, 512], strides = [1, 1]} : vector<2000x544xf32> to vector<2000x512xf32>
    %mul3A = arith.mulf %dot_general3A_16, %slice3A : vector<2000x512xf32>
    %slice3A_17 = vector.extract_strided_slice %mul3A {offsets = [0, 0], sizes = [2000, 128], strides = [1, 1]} : vector<2000x512xf32> to vector<2000x128xf32>
    %slice3A_18 = vector.extract_strided_slice %mul3A {offsets = [0, 128], sizes = [2000, 128], strides = [1, 1]} : vector<2000x512xf32> to vector<2000x128xf32>
    %add3A = arith.addf %slice3A_17, %slice3A_18 : vector<2000x128xf32>
    %slice3A_19 = vector.extract_strided_slice %mul3A {offsets = [0, 256], sizes = [2000, 128], strides = [1, 1]} : vector<2000x512xf32> to vector<2000x128xf32>
    %add3A_20 = arith.addf %add3A, %slice3A_19 : vector<2000x128xf32>
    %slice3A_21 = vector.extract_strided_slice %mul3A {offsets = [0, 384], sizes = [2000, 128], strides = [1, 1]} : vector<2000x512xf32> to vector<2000x128xf32>
    %add3A_22 = arith.addf %add3A_20, %slice3A_21 : vector<2000x128xf32>
    %slice3A_23 = vector.extract_strided_slice %dot_general3A_6 {offsets = [0, 512], sizes = [2000, 32], strides = [1, 1]} : vector<2000x544xf32> to vector<2000x32xf32>
    %slice3A_24 = vector.extract_strided_slice %add3A_22 {offsets = [0, 0], sizes = [2000, 32], strides = [1, 1]} : vector<2000x128xf32> to vector<2000x32xf32>
    %add3A_25 = arith.addf %slice3A_23, %slice3A_24 : vector<2000x32xf32>
    %slice3A_26 = vector.extract_strided_slice %add3A_22 {offsets = [0, 32], sizes = [2000, 32], strides = [1, 1]} : vector<2000x128xf32> to vector<2000x32xf32>
    %add3A_27 = arith.addf %add3A_25, %slice3A_26 : vector<2000x32xf32>
    %slice3A_28 = vector.extract_strided_slice %add3A_22 {offsets = [0, 64], sizes = [2000, 32], strides = [1, 1]} : vector<2000x128xf32> to vector<2000x32xf32>
    %add3A_29 = arith.addf %add3A_27, %slice3A_28 : vector<2000x32xf32>
    %slice3A_30 = vector.extract_strided_slice %add3A_22 {offsets = [0, 96], sizes = [2000, 32], strides = [1, 1]} : vector<2000x128xf32> to vector<2000x32xf32>
    %add3A_31 = arith.addf %add3A_29, %slice3A_30 : vector<2000x32xf32>
    %iota3A = tpu.iota {dimensions = array<i32: 1>} : vector<2000x16xi32>
    %eq3A = arith.constant 0 : i32
    %eq3A_32 = vector.broadcast %eq3A : i32 to vector<2000x16xi32>
    %eq3A_33 = arith.cmpi eq, %iota3A, %eq3A_32 : vector<2000x16xi32>
    %convert_element_type3A_34 = arith.extui %eq3A_33 : vector<2000x16xi1> to vector<2000x16xi32>
    %convert_element_type3A_35 = arith.sitofp %convert_element_type3A_34 : vector<2000x16xi32> to vector<2000x16xf32>
    %concatenate3A = tpu.concatenate %add3A_31, %convert_element_type3A_35 in 1 : vector<2000x32xf32>, vector<2000x16xf32> -> vector<2000x48xf32>
    %swap3A = arith.constant 0 : index
    %swap3A_36 = arith.constant 0 : index
    %swap3A_37 = vector.load %arg5[%swap3A, %swap3A_36] : memref<2000x48xf32, #tpu.memory_space<vmem>>, vector<2000x48xf32>
    tpu.vector_store %arg5[%swap3A, %swap3A_36], %concatenate3A {strides = array<i32>} : memref<2000x48xf32, #tpu.memory_space<vmem>>, vector<2000x48xf32>,
    return
  }
  func.func @transform_0(%arg0: i32) -> (i32, i32) {
    %c0_i32 = arith.constant 0 : i32
    %c0_i32_0 = arith.constant 0 : i32
    return %arg0, %c0_i32 : i32, i32
  }
  func.func @transform_1(%arg0: i32) -> (i32, i32) {
    %c0_i32 = arith.constant 0 : i32
    %c0_i32_0 = arith.constant 0 : i32
    return %arg0, %c0_i32 : i32, i32
  }
  func.func @transform_2(%arg0: i32) -> (i32, i32) {
    %c0_i32 = arith.constant 0 : i32
    %c0_i32_0 = arith.constant 0 : i32
    %c0_i32_1 = arith.constant 0 : i32
    return %c0_i32, %c0_i32_0 : i32, i32
  }
  func.func @transform_3(%arg0: i32) -> (i32, i32) {
    %c0_i32 = arith.constant 0 : i32
    %c0_i32_0 = arith.constant 0 : i32
    %c0_i32_1 = arith.constant 0 : i32
    return %c0_i32, %c0_i32_0 : i32, i32
  }
  func.func @transform_4(%arg0: i32) -> (i32, i32) {
    %c0_i32 = arith.constant 0 : i32
    %c0_i32_0 = arith.constant 0 : i32
    return %arg0, %c0_i32 : i32, i32
  }
}

module attributes {stable_mosaic.version = 14 : i64} {
  func.func @_fin_body(%arg0: i32, %arg1: memref<2x2048x48xf32, #tpu.memory_space<vmem>>, %arg2: memref<1x32xf32, #tpu.memory_space<vmem>>, %arg3: memref<2048x32xf32, #tpu.memory_space<vmem>>) attributes {dimension_semantics = [#tpu.dimension_semantics<arbitrary>], iteration_bounds = array<i64: 5>, scalar_prefetch = 0 : i64, scratch_operands = 0 : i64, tpu.core_type = #tpu.core_type<tc>, window_params = [{transform_indices = @transform_0, window_bounds = array<i64: 2, 2048, 48>}, {pipeline_mode = #tpu.pipeline_mode<synchronous>, transform_indices = @transform_1, window_bounds = array<i64: 1, 32>}, {transform_indices = @transform_2, window_bounds = array<i64: 2048, 32>}]} {
    %get3A = arith.constant 0 : index
    %get3A_0 = arith.constant 0 : index
    %get3A_1 = arith.constant 0 : index
    %get3A_2 = vector.load %arg1[%get3A, %get3A_0, %get3A_1] : memref<2x2048x48xf32, #tpu.memory_space<vmem>>, vector<2x2048x48xf32>
    %slice3A = vector.extract_strided_slice %get3A_2 {offsets = [0, 0, 0], sizes = [1, 2048, 48], strides = [1, 1, 1]} : vector<2x2048x48xf32> to vector<1x2048x48xf32>
    %squeeze3A = vector.shape_cast %slice3A : vector<1x2048x48xf32> to vector<2048x48xf32>
    %slice3A_3 = vector.extract_strided_slice %get3A_2 {offsets = [1, 0, 0], sizes = [1, 2048, 48], strides = [1, 1, 1]} : vector<2x2048x48xf32> to vector<1x2048x48xf32>
    %squeeze3A_4 = vector.shape_cast %slice3A_3 : vector<1x2048x48xf32> to vector<2048x48xf32>
    %add3A = arith.addf %squeeze3A, %squeeze3A_4 : vector<2048x48xf32>
    %slice3A_5 = vector.extract_strided_slice %add3A {offsets = [0, 32], sizes = [2048, 1], strides = [1, 1]} : vector<2048x48xf32> to vector<2048x1xf32>
    %slice3A_6 = vector.extract_strided_slice %add3A {offsets = [0, 0], sizes = [2048, 32], strides = [1, 1]} : vector<2048x48xf32> to vector<2048x32xf32>
    %max3A = arith.constant 1.000000e+00 : f32
    %max3A_7 = vector.broadcast %max3A : f32 to vector<2048x1xf32>
    %max3A_8 = arith.maximumf %slice3A_5, %max3A_7 : vector<2048x1xf32>
    %div3A = vector.broadcast %max3A_8 : vector<2048x1xf32> to vector<2048x32xf32>
    %div3A_9 = arith.divf %slice3A_6, %div3A : vector<2048x32xf32>
    %get3A_10 = arith.constant 0 : index
    %get3A_11 = arith.constant 0 : index
    %get3A_12 = vector.load %arg2[%get3A_10, %get3A_11] : memref<1x32xf32, #tpu.memory_space<vmem>>, vector<1x32xf32>
    %add3A_13 = vector.broadcast %get3A_12 : vector<1x32xf32> to vector<2048x32xf32>
    %add3A_14 = arith.addf %div3A_9, %add3A_13 : vector<2048x32xf32>
    %swap3A = arith.constant 0 : index
    %swap3A_15 = arith.constant 0 : index
    %swap3A_16 = vector.load %arg3[%swap3A, %swap3A_15] : memref<2048x32xf32, #tpu.memory_space<vmem>>, vector<2048x32xf32>
    tpu.vector_store %arg3[%swap3A, %swap3A_15], %add3A_14 {strides = array<i32>} : memref<2048x32xf32, #tpu.memory_space<vmem>>, vector<2048x32xf32>,
    return
  }
  func.func @transform_0(%arg0: i32) -> (i32, i32, i32) {
    %c0_i32 = arith.constant 0 : i32
    %c0_i32_0 = arith.constant 0 : i32
    %c0_i32_1 = arith.constant 0 : i32
    return %c0_i32, %arg0, %c0_i32_0 : i32, i32, i32
  }
  func.func @transform_1(%arg0: i32) -> (i32, i32) {
    %c0_i32 = arith.constant 0 : i32
    %c0_i32_0 = arith.constant 0 : i32
    %c0_i32_1 = arith.constant 0 : i32
    return %c0_i32, %c0_i32_0 : i32, i32
  }
  func.func @transform_2(%arg0: i32) -> (i32, i32) {
    %c0_i32 = arith.constant 0 : i32
    %c0_i32_0 = arith.constant 0 : i32
    return %arg0, %c0_i32 : i32, i32
  }
}

</mosaic_0001>

<sc_bundles>
// kernel: kernel.6.cloned.1.call-start
scs
__scs_entry_jumppad:
0x0: {  	(pc) =	sbr.rel $0x88, $3  }
0x1: {  	(tag) =	ssettag $0x0;
	lr =	simm.s32 $0x1  }
0x2: {  	[smem:$0x3F9B] =	sst lr;
	_ =	strace $0xD0000000  }
0x3: {  	_ = 	snop  }
0x4: {  	_ = 	snop  }
0x5: {  	_ = 	snop  }
0x6: {  	_ = 	snop  }
0x7: {  	_ = 	snop  }
__scs_overlays_trampoline_lowered:
0x8: {  	[smem:$0x3FAA] =	sst s0  }
0x9: {  	[smem:$0x3FAB] =	sst s1  }
0xa: {  	[smem:$0x3FAC] =	sst s2  }
0xb: {  	[smem:$0x3FAD] =	sst s3  }
0xc: {  	[smem:$0x3FAE] =	sst s4  }
0xd: {  	[smem:$0x3FAF] =	sst s5  }
0xe: {  	[smem:$0x3FB0] =	sst s6  }
0xf: {  	[smem:$0x3FB1] =	sst s7  }
0x10: {  	[smem:$0x3FB2] =	sst s8  }
0x11: {  	[smem:$0x3FB3] =	sst s9;
	s0 =	simm.s32 @!p0 $0x0  }
0x12: {  	s1 =	sld [smem:$0x3F99];
	s0 =	simm.s32 @p0 $0x1  }
0x13: {  	[smem:$0x3FB4] =	sst s0;
	s0 =	simm.s32 @!p1 $0x0  }
0x14: {  	s2 =	sld [smem:$0x3F98];
	s0 =	simm.s32 @p1 $0x1  }
0x15: {  	[smem:$0x3FB5] =	sst s0;
	s0 =	simm.s32 @!p2 $0x0  }
0x16: {  	s3 =	sld [smem:$0x3FDB];
	s0 =	simm.s32 @p2 $0x1  }
0x17: {  	s4 =	simm.s32 $0x1BF5;
	[smem:$0x3FB7] =	sst s0  }
0x18: {  	s0 =	sld [smem:$0x3F9A];
	_ =	swait.ge [sflag:s4], $0x0  }
0x19: {  	s7 =	sld [smem:$0x3F9B]  }
0x1a: {  	s8 =	sadd.s32 $0xFFFFE003, lr  }
0x1b: {  	s9 =	sadd.s32 $0xFFFFFEF7, lr;
	s5 =	simm.s32 $0xFFFFFFFF;
	p2 =	slt.u32 s8, $0xFFFFF086  }
0x1c: {  	p1 =	slt.u32 s9, $0xF7A;
	s5 =	simm.s32 @!p2 $0x0  }
0x1d: {  	s5 =	simm.s32 @p1 $0x1;
	p0 =	seq.s32 s7, s2  }
0x1e: {  	s7 =	smul.u32 @!p0 $0xF7A, s2;
	p2 =	seq.s32 @!p0 s5, $0x0  }
0x1f: {  	s9 =	smul.u32 $0xF7A, s1;
	s8 =	simm.s32 @!p0 $0x1BF5;
	p2 =	por !p2, p0  }
0x20: {  	[sflag:s8] =	ssyncset.s32 @!p0 $0xFFFFF086;
	s6 =	sadd.s32 @!p0 s3, s7;
	s7 =	simm.s32 @!p0 $0x108  }
0x21: {  	s3 =	sadd.s32 s3, s9;
	s6 =	sadd.s32 @!p0 $0x88, s6;
	s7 =	simm.s32 @p2 $0x1082  }
0x22: {  	[simem:s7], [sflag:s8] =	dma.local @!p0 [hbm:s6], $0xF7A  }
0x23: {  	s9 =	sor.u32 $0xD0000000, s2;
	s6 =	simm.s32 $0x108;
	_ =	swait.ge @!p0 [sflag:s8], $0x0  }
0x24: {  	s3 =	sadd.s32 $0x88, s3;
	s6 =	simm.s32 @!p1 $0x1082;
	[sflag:s4] =	ssyncset.s32 $0xFFFFF086  }
0x25: {  	[simem:s6], [sflag:s4] =	dma.local [hbm:s3], $0xF7A  }
0x26: {  	[smem:$0x3F9B] =	sst s1;
	(tag) =	ssettag s2;
	_ =	strace s9  }
0x27: {  	s1 =	sld [smem:$0x3FAB]  }
0x28: {  	s2 =	sld [smem:$0x3FAC]  }
0x29: {  	s4 =	sld [smem:$0x3FAE]  }
0x2a: {  	p0 =	seq.s32 s5, $0x0;
	s5 =	sld [smem:$0x3FAF]  }
0x2b: {  	s6 =	sld [smem:$0x3FB0]  }
0x2c: {  	s7 =	sld [smem:$0x3FB1]  }
0x2d: {  	s3 =	simm.s32 $0x108;
	s8 =	sld [smem:$0x3FB2]  }
0x2e: {  	s3 =	simm.s32 @!p0 $0x1082;
	s9 =	sld [smem:$0x3FB3]  }
0x2f: {  	lr =	sadd.s32 s0, s3;
	s0 =	sld [smem:$0x3FAA]  }
0x30: {  	s3 =	sld [smem:$0x3FAD]  }
0x31: {  	[smem:$0x3FB6] =	sst s10  }
0x32: {  	s10 =	sld [smem:$0x3FB4];
	_ =	sdelay $0x3  }
0x33: {  	p0 =	seq.s32 s10, $0x1;
	s10 =	sld [smem:$0x3FB6];
	_ =	sdelay $0x3  }
0x34: {  	[smem:$0x3FB6] =	sst s10  }
0x35: {  	s10 =	sld [smem:$0x3FB5];
	_ =	sdelay $0x3  }
0x36: {  	p1 =	seq.s32 s10, $0x1;
	s10 =	sld [smem:$0x3FB6];
	_ =	sdelay $0x3  }
0x37: {  	[smem:$0x3FB6] =	sst s10  }
0x38: {  	s10 =	sld [smem:$0x3FB7]  }
0x39: {  	_ = 	snop;
	(pc) =	sbr.ind lr, $3  }
0x3a: {  	_ = 	snop  }
0x3b: {  	_ = 	snop  }
0x3c: {  	p2 =	seq.s32 s10, $0x1;
	s10 =	sld [smem:$0x3FB6]  }
0x3d: {  	_ =	shalt  }
0x3e: {  	_ =	shalt  }
0x3f: {  	_ =	shalt  }
0x40: {  	_ =	shalt  }
0x41: {  	_ =	shalt  }
0x42: {  	_ =	shalt  }
0x43: {  	_ =	shalt  }
0x44: {  	_ =	shalt  }
0x45: {  	_ =	shalt  }
0x46: {  	_ =	shalt  }
0x47: {  	_ =	shalt  }
0x48: {  	_ =	shalt  }
0x49: {  	_ =	shalt  }
0x4a: {  	_ =	shalt  }
0x4b: {  	_ =	shalt  }
0x4c: {  	_ =	shalt  }
0x4d: {  	_ =	shalt  }
0x4e: {  	_ =	shalt  }
0x4f: {  	_ =	shalt  }
0x50: {  	_ =	shalt  }
0x51: {  	_ =	shalt  }
0x52: {  	_ =	shalt  }
0x53: {  	_ =	shalt  }
0x54: {  	_ =	shalt  }
0x55: {  	_ =	shalt  }
0x56: {  	_ =	shalt  }
0x57: {  	_ =	shalt  }
0x58: {  	_ =	shalt  }
0x59: {  	_ =	shalt  }
0x5a: {  	_ =	shalt  }
0x5b: {  	_ =	shalt  }
0x5c: {  	_ =	shalt  }
0x5d: {  	_ =	shalt  }
0x5e: {  	_ =	shalt  }
0x5f: {  	_ =	shalt  }
0x60: {  	_ =	shalt  }
0x61: {  	_ =	shalt  }
0x62: {  	_ =	shalt  }
0x63: {  	_ =	shalt  }
0x64: {  	_ =	shalt  }
0x65: {  	_ =	shalt  }
0x66: {  	_ =	shalt  }
0x67: {  	_ =	shalt  }
0x68: {  	_ =	shalt  }
0x69: {  	_ =	shalt  }
0x6a: {  	_ =	shalt  }
0x6b: {  	_ =	shalt  }
0x6c: {  	_ =	shalt  }
0x6d: {  	_ =	shalt  }
0x6e: {  	_ =	shalt  }
0x6f: {  	_ =	shalt  }
0x70: {  	_ =	shalt  }
0x71: {  	_ =	shalt  }
0x72: {  	_ =	shalt  }
0x73: {  	_ =	shalt  }
0x74: {  	_ =	shalt  }
0x75: {  	_ =	shalt  }
0x76: {  	_ =	shalt  }
0x77: {  	_ =	shalt  }
0x78: {  	_ =	shalt  }
0x79: {  	_ =	shalt  }
0x7a: {  	_ =	shalt  }
0x7b: {  	_ =	shalt  }
0x7c: {  	_ =	shalt  }
0x7d: {  	_ =	shalt  }
0x7e: {  	_ =	shalt  }
0x7f: {  	_ =	shalt  }
0x80: {  	_ =	shalt  }
0x81: {  	_ =	shalt  }
0x82: {  	_ =	shalt  }
0x83: {  	_ =	shalt  }
0x84: {  	_ =	shalt  }
0x85: {  	_ =	shalt  }
0x86: {  	_ =	shalt  }
0x87: {  	_ =	shalt  }
.Lfunc_end0:
.L_simem_size_0:
called_computation_lowered:
.L_overlay_start_0:
0x88: {  	s2 =	sld [smem:$0x3FD9]  }
0x89: {  	s3 =	sld [smem:$0x3FFE];
	_ =	sdelay $0x1  }
0x8a: {  	s1 =	srdreg.scid  }
0x8b: {  	s0 =	sand.u32 $0x1, s1  }
0x8c: {  	s17 =	sshll.u32 s0, $0xA;
	s2 =	sadd.s32 s3, s2  }
0x8d: {  	s2 =	sadd.s32 s2, s17  }
0x8e: {  	[smem:$0x3FC2] =	sst s2  }
0x8f: {  	_ = 	snop  }
0x90: {  	s2 =	sld [smem:$0x3FD0];
	(tm) =	ssettm $0x1  }
0x91: {  	s18 =	sld [smem:$0x3FFB];
	_ =	sdelay $0x3  }
0x92: {  	_ =	strace s18  }
0x93: {  	s3 =	sld [smem:$0x3FFC];
	_ =	sdelay $0x3  }
0x94: {  	_ =	strace s3  }
0x95: {  	s3 =	sld [smem:$0x3FFD];
	_ =	sdelay $0x3  }
0x96: {  	_ =	strace s3  }
0x97: {  	_ =	strace $0x8FFFFFFF  }
0x98: {  	s19 =	sld [smem:$0x3FDB];
	_ =	sdelay $0x1  }
0x99: {  	s4 =	simm.s32 $_scs_section_size  }
0x9a: {  	s5 =	simm.s32 $_size__tile_overlayer_lowered;
	s6 =	simm.s32 $_tile_overlayer_lowered  }
0x9b: {  	s22 =	simm.s32 $0x1BFF;
	s21 =	sshll.u32 s6, $0x1;
	s3 =	sadd.s32 s4, s19  }
0x9c: {  	s7 =	simm.s32 $0x0;
	s20 =	sshll.u32 s5, $0x1;
	s5 =	sadd.s32 s21, s3  }
0x9d: {  	[timem:s7], [sflag:s22] =	dma.local [hbm:s5], s20  }
0x9e: {  	_ =	swait.ge [sflag:s22], s20  }
0x9f: {  	s4 =	ssub.s32 $0x0, s20;
	[sflag:s22] =	ssyncset.done $0x0  }
0xa0: {  	[sflag:s22] =	ssyncadd.s32 s4;
	_ =	sdelay $0x1  }
0xa1: {  	s23 =	simm.s32 $0x1B8B  }
0xa2: {  	_ =	swait.ge [sflag:s23], $0x1  }
0xa3: {  	[sflag:s23] =	ssyncset.done $0x0  }
0xa4: {  	s25 =	simm.s32 $0x1B8E;
	s24 =	sld [smem:$0x3FFE];
	[sflag:s23] =	ssyncadd.s32 $0xFFFFFFFF  }
0xa5: {  	s26 =	simm.s32 $execute0_lowered;
	[smem:$0x3FD2] =	sst s25  }
0xa6: {  	s5 =	sshll.u32 s26, $0x1;
	_ =	strace $0x80000046;
	[dreg:$0x1] =	wrdreg $0xFFFFFFFF  }
0xa7: {  	s28 =	simm.s32 $_size_execute0_lowered;
	s3 =	sadd.s32 s3, s5;
	[dreg:$0x0] =	wrdreg $0x0  }
0xa8: {  	s5 =	sshll.u32 s28, $0x1;
	[dreg:$0x2] =	wrdreg s3  }
0xa9: {  	[dreg:$0x3] =	wrdreg s5  }
0xaa: {  	[dreg:$0x4] =	wrdreg $0xC0  }
0xab: {  	_ =	task [dreg:s7], $0x5FFFF  }
0xac: {  	[dreg:$0x1] =	wrdreg $0xFFFFFFFF  }
0xad: {  	[dreg:$0x0] =	wrdreg $0x60  }
0xae: {  	[dreg:$0x2] =	wrdreg s2  }
0xaf: {  	[dreg:$0x3] =	wrdreg s24  }
0xb0: {  	[dreg:$0x4] =	wrdreg $0x9  }
0xb1: {  	_ =	task.clear_ibuf [dreg:s7], $0x5FFFF;
	_ =	strace $0x90000046  }
0xb2: {  	s29 =	simm.s32 $0x9;
	_ =	strace $0x80000048  }
0xb3: {  	_ =	swait.ge [sflag:s29], $0x1  }
0xb4: {  	[sflag:s29] =	ssyncadd.s32 $0xFFFFFFFF  }
0xb5: {  	_ =	strace $0x90000048  }
0xb6: {  	_ =	sfence  }
0xb7: {  	s30 =	sld [smem:$0x0];
	_ =	sdelay $0x2  }
0xb8: {  	s31 =	sshll.u32 s1, $0xD;
	s1 =	sshrl.u32 s1, $0x2  }
0xb9: {  	s3 =	sand.u32 $0x4000, s31;
	s1 =	sadd.s32 s1, s30  }
0xba: {  	s0 =	sor.u32 s3, s0;
	s1 =	sshll.u32 s1, $0x11  }
0xbb: {  	s0 =	sor.u32 s1, s0  }
0xbc: {  	s0 =	sadd.s32 $0x8F2B, s0  }
0xbd: {  	[sflag:s0] =	ssyncadd.remote.s32 $0x1  }
0xbe: {  	_ =	sfence.sel $0xFFFF  }
0xbf: {  	[dreg:$0x0] =	wrdreg $0xFFFFFFFF;
	(pc) =	sbr.abs _section_cstart, $3  }
0xc0: {  	[dreg:$0x1] =	wrdreg $0xFFFFFFFF  }
0xc1: {  	_ =	task.clear_ibuf [dreg:s7], $0x2FFFF;
	_ =	strace $0x9FFFFFFF  }
0xc2: {  	(tm) =	ssettm $0x7FFFFFFF  }
0xc3: {  	_ =	shalt  }
tec
execute0_lowered:
.L_overlay_start_1:
0x0: {  	(tag) =	ssettag $0x1  }
0x1: {  	s0 =	srdreg.scid;
	s2 =	rddreg [dreg:$0x0]  }
0x2: {  	s5 =	rddreg [dreg:$0x1];
	s3 =	simm.s32 $0x0;
	s10 =	simm.s32 $0x23A0  }
0x3: {  	s11 =	simm.s32 $0x3340;
	s12 =	simm.s32 $0x42E0;
	s13 =	simm.s32 $0x5280  }
0x4: {  	s14 =	simm.s32 $0x6220;
	s15 =	simm.s32 $0x71C0;
	s16 =	simm.s32 $0x8160  }
0x5: {  	s17 =	simm.s32 $0x1;
	s18 =	simm.s32 $0x0;
	s4 =	sand.u32 $0x1, s0  }
0x6: {  	s0 =	stileid.u32;
	s1 =	sshll.u32 s4, $0x4;
	s7 =	smul.u32 $0x4E200, s4  }
0x7: {  	s4 =	ssub.s32 $0x2, s4;
	s8 =	smul.u32 $0x4E20, s0;
	s1 =	sor.u32 s0, s1  }
0x8: {  	[smem:$0x7FF] =	sst s3;
	s9 =	sshrl.u32 s4, $0x1;
	s6 =	smul.u32 $0x280, s1  }
0x9: {  	s1 =	rddreg [dreg:$0x2];
	_ =	strace $0x80000047;
	s7 =	sadd.s32 s7, s5  }
0xa: {  	s31 =	ssub.s32 s4, s9;
	s9 =	simm.s32 $0x1400;
	s7 =	sadd.s32 s8, s7  }
0xb: {  	s8 =	simm.s32 $0x7D;
	s5 =	sadd.s32 s6, s5;
	s6 =	sadd.s32 $0x6200, s7  }
0xc: {  	s7 =	simm.s32 $0x2;
	s4 =	sadd.s32 $0x1200, s5;
	s5 =	smax.u32 s31, $0x1  }
.LBB2_1:
0xd: {  	[tilespmem:s3], [sflag:$0x2] =	stream.linear.gather [hbm4b:s4+s3], $0x1400, $0x38;
	[tilespmem:$0x9100] =	vst v63  }
0xe: {  	_ =	swait.ge [sflag:s7], $0x1400  }
0xf: {  	[sflag:s7] =	ssyncset.done $0x0  }
0x10: {  	s19 =	simm.s32 $0x0;
	[sflag:s7] =	ssyncadd.s32 $0xFFFFEC00  }
0x11: {  	[tilespmem:s9], [sflag:$0x1] =	stream.indirect.gather [hbm4b:s2+s8], $0x20, s19, s8, $0xb8;
	[tilespmem:$0x9100] =	vst v63  }
0x12: {  	s24 =	simm.s32 $0x80  }
0x13: {  	[tilespmem:s10], [sflag:$0x1] =	stream.indirect.gather [hbm4b:s2+s8], $0x20, s24, s8, $0xb8;
	[tilespmem:$0x9100] =	vst v63  }
0x14: {  	s25 =	simm.s32 $0x100  }
0x15: {  	[tilespmem:s11], [sflag:$0x1] =	stream.indirect.gather [hbm4b:s2+s8], $0x20, s25, s8, $0xb8;
	[tilespmem:$0x9100] =	vst v63  }
0x16: {  	s26 =	simm.s32 $0x180  }
0x17: {  	[tilespmem:s12], [sflag:$0x1] =	stream.indirect.gather [hbm4b:s2+s8], $0x20, s26, s8, $0xb8;
	[tilespmem:$0x9100] =	vst v63  }
0x18: {  	s28 =	simm.s32 $0x200  }
0x19: {  	[tilespmem:s13], [sflag:$0x1] =	stream.indirect.gather [hbm4b:s2+s8], $0x20, s28, s8, $0xb8;
	[tilespmem:$0x9100] =	vst v63  }
0x1a: {  	s29 =	simm.s32 $0x280  }
0x1b: {  	[tilespmem:s14], [sflag:$0x1] =	stream.indirect.gather [hbm4b:s2+s8], $0x20, s29, s8, $0xb8;
	[tilespmem:$0x9100] =	vst v63  }
0x1c: {  	s30 =	simm.s32 $0x300  }
0x1d: {  	[tilespmem:s15], [sflag:$0x1] =	stream.indirect.gather [hbm4b:s2+s8], $0x20, s30, s8, $0xb8;
	[tilespmem:$0x9100] =	vst v63  }
0x1e: {  	s31 =	simm.s32 $0x380  }
0x1f: {  	[tilespmem:s16], [sflag:$0x1] =	stream.indirect.gather [hbm4b:s2+s8], $0x20, s31, s8, $0xb8;
	[tilespmem:$0x9100] =	vst v63  }
0x20: {  	_ =	swait.ge [sflag:s17], $0xFA0  }
0x21: {  	[sflag:s17] =	ssyncset.done $0x0  }
0x22: {  	[sflag:s17] =	ssyncadd.s32 $0xFFFFF060  }
0x23: {  	_ =	swait.ge [sflag:s17], $0xFA0  }
0x24: {  	[sflag:s17] =	ssyncset.done $0x0  }
0x25: {  	[sflag:s17] =	ssyncadd.s32 $0xFFFFF060  }
0x26: {  	_ =	swait.ge [sflag:s17], $0xFA0  }
0x27: {  	[sflag:s17] =	ssyncset.done $0x0  }
0x28: {  	[sflag:s17] =	ssyncadd.s32 $0xFFFFF060  }
0x29: {  	_ =	swait.ge [sflag:s17], $0xFA0  }
0x2a: {  	[sflag:s17] =	ssyncset.done $0x0  }
0x2b: {  	[sflag:s17] =	ssyncadd.s32 $0xFFFFF060  }
0x2c: {  	_ =	swait.ge [sflag:s17], $0xFA0  }
0x2d: {  	[sflag:s17] =	ssyncset.done $0x0  }
0x2e: {  	[sflag:s17] =	ssyncadd.s32 $0xFFFFF060  }
0x2f: {  	_ =	swait.ge [sflag:s17], $0xFA0  }
0x30: {  	[sflag:s17] =	ssyncset.done $0x0  }
0x31: {  	[sflag:s17] =	ssyncadd.s32 $0xFFFFF060  }
0x32: {  	_ =	swait.ge [sflag:s17], $0xFA0  }
0x33: {  	[sflag:s17] =	ssyncset.done $0x0  }
0x34: {  	[sflag:s17] =	ssyncadd.s32 $0xFFFFF060  }
0x35: {  	_ =	swait.ge [sflag:s17], $0xFA0  }
0x36: {  	[sflag:s17] =	ssyncset.done $0x0  }
0x37: {  	[sflag:s17] =	ssyncadd.s32 $0xFFFFF060  }
0x38: {  	[hbm4b:s6+s3] =	stream.linear.scatter [tilespmem:s9], [sflag:$0x2], $0x7D00, $0x38;
	[tilespmem:$0x9100] =	vst v63  }
0x39: {  	s20 =	simm.s32 $0x1000;
	_ =	swait.ge [sflag:s7], $0x7D00  }
0x3a: {  	s22 =	simm.s32 $0x2000;
	s19 =	sadd.s32 $0xFA0, s6;
	[sflag:s7] =	ssyncset.done $0x0  }
.LBB2_2:
0x3b: {  	s23 =	sshra.s32 s20, $0x2  }
0x3c: {  	[sflag:s7] =	ssyncadd.s32 $0xFFFF8300;
	s20 =	smov.u32 s22;
	s21 =	sadd.s32 $0x1000, s22  }
0x3d: {  	[tilespmem:s9], [sflag:$0x1] =	stream.indirect.gather [hbm4b:s2+s8], $0x20, s23, s8, $0xb8;
	[tilespmem:$0x9100] =	vst v63  }
0x3e: {  	p0 =	sne.s32 s22, $0x4000;
	s22 =	sadd.s32 $0x80, s23  }
0x3f: {  	[tilespmem:s10], [sflag:$0x1] =	stream.indirect.gather [hbm4b:s2+s8], $0x20, s22, s8, $0xb8;
	[tilespmem:$0x9100] =	vst v63  }
0x40: {  	s22 =	sadd.s32 $0x100, s23  }
0x41: {  	[tilespmem:s11], [sflag:$0x1] =	stream.indirect.gather [hbm4b:s2+s8], $0x20, s22, s8, $0xb8;
	[tilespmem:$0x9100] =	vst v63  }
0x42: {  	s22 =	sadd.s32 $0x180, s23  }
0x43: {  	[tilespmem:s12], [sflag:$0x1] =	stream.indirect.gather [hbm4b:s2+s8], $0x20, s22, s8, $0xb8;
	[tilespmem:$0x9100] =	vst v63  }
0x44: {  	s22 =	sadd.s32 $0x200, s23  }
0x45: {  	[tilespmem:s13], [sflag:$0x1] =	stream.indirect.gather [hbm4b:s2+s8], $0x20, s22, s8, $0xb8;
	[tilespmem:$0x9100] =	vst v63  }
0x46: {  	s22 =	sadd.s32 $0x280, s23  }
0x47: {  	[tilespmem:s14], [sflag:$0x1] =	stream.indirect.gather [hbm4b:s2+s8], $0x20, s22, s8, $0xb8;
	[tilespmem:$0x9100] =	vst v63  }
0x48: {  	s22 =	sadd.s32 $0x300, s23  }
0x49: {  	[tilespmem:s15], [sflag:$0x1] =	stream.indirect.gather [hbm4b:s2+s8], $0x20, s22, s8, $0xb8;
	[tilespmem:$0x9100] =	vst v63  }
0x4a: {  	s22 =	sadd.s32 $0x380, s23  }
0x4b: {  	[tilespmem:s16], [sflag:$0x1] =	stream.indirect.gather [hbm4b:s2+s8], $0x20, s22, s8, $0xb8;
	[tilespmem:$0x9100] =	vst v63  }
0x4c: {  	_ =	swait.ge [sflag:s17], $0xFA0  }
0x4d: {  	[sflag:s17] =	ssyncset.done $0x0  }
0x4e: {  	[sflag:s17] =	ssyncadd.s32 $0xFFFFF060  }
0x4f: {  	_ =	swait.ge [sflag:s17], $0xFA0  }
0x50: {  	[sflag:s17] =	ssyncset.done $0x0  }
0x51: {  	[sflag:s17] =	ssyncadd.s32 $0xFFFFF060  }
0x52: {  	_ =	swait.ge [sflag:s17], $0xFA0  }
0x53: {  	[sflag:s17] =	ssyncset.done $0x0  }
0x54: {  	[sflag:s17] =	ssyncadd.s32 $0xFFFFF060  }
0x55: {  	_ =	swait.ge [sflag:s17], $0xFA0  }
0x56: {  	[sflag:s17] =	ssyncset.done $0x0  }
0x57: {  	[sflag:s17] =	ssyncadd.s32 $0xFFFFF060  }
0x58: {  	_ =	swait.ge [sflag:s17], $0xFA0  }
0x59: {  	[sflag:s17] =	ssyncset.done $0x0  }
0x5a: {  	[sflag:s17] =	ssyncadd.s32 $0xFFFFF060  }
0x5b: {  	_ =	swait.ge [sflag:s17], $0xFA0  }
0x5c: {  	[sflag:s17] =	ssyncset.done $0x0  }
0x5d: {  	[sflag:s17] =	ssyncadd.s32 $0xFFFFF060  }
0x5e: {  	_ =	swait.ge [sflag:s17], $0xFA0  }
0x5f: {  	[sflag:s17] =	ssyncset.done $0x0  }
0x60: {  	[sflag:s17] =	ssyncadd.s32 $0xFFFFF060  }
0x61: {  	_ =	swait.ge [sflag:s17], $0xFA0  }
.Ltmp0:
0x62: {  	[sflag:s17] =	ssyncset.done $0x0;
	(pc) =	sbr.rel @p0 .LBB2_2-.Ltmp0, $4  }
0x63: {  	[sflag:s17] =	ssyncadd.s32 $0xFFFFF060  }
0x64: {  	[hbm4b:s19+s3] =	stream.linear.scatter [tilespmem:s9], [sflag:$0x2], $0x7D00, $0x38;
	[tilespmem:$0x9100] =	vst v63  }
0x65: {  	_ =	swait.ge [sflag:s7], $0x7D00  }
0x66: {  	s22 =	smov.u32 s21;
	s19 =	sadd.s32 $0xFA0, s19;
	[sflag:s7] =	ssyncset.done $0x0  }
0x67: {  	s20 =	sshra.s32 s20, $0x2;
	[sflag:s7] =	ssyncadd.s32 $0xFFFF8300  }
0x68: {  	[tilespmem:s9], [sflag:$0x1] =	stream.indirect.gather [hbm4b:s2+s8], $0x20, s20, s8, $0xb8;
	[tilespmem:$0x9100] =	vst v63  }
0x69: {  	s21 =	sadd.s32 $0x80, s20  }
0x6a: {  	[tilespmem:s10], [sflag:$0x1] =	stream.indirect.gather [hbm4b:s2+s8], $0x20, s21, s8, $0xb8;
	[tilespmem:$0x9100] =	vst v63  }
0x6b: {  	s26 =	sadd.s32 $0x100, s20  }
0x6c: {  	[tilespmem:s11], [sflag:$0x1] =	stream.indirect.gather [hbm4b:s2+s8], $0x20, s26, s8, $0xb8;
	[tilespmem:$0x9100] =	vst v63  }
0x6d: {  	s28 =	sadd.s32 $0x180, s20  }
0x6e: {  	[tilespmem:s12], [sflag:$0x1] =	stream.indirect.gather [hbm4b:s2+s8], $0x20, s28, s8, $0xb8;
	[tilespmem:$0x9100] =	vst v63  }
0x6f: {  	s29 =	sadd.s32 $0x200, s20  }
0x70: {  	[tilespmem:s13], [sflag:$0x1] =	stream.indirect.gather [hbm4b:s2+s8], $0x20, s29, s8, $0xb8;
	[tilespmem:$0x9100] =	vst v63  }
0x71: {  	s30 =	sadd.s32 $0x280, s20  }
0x72: {  	[tilespmem:s14], [sflag:$0x1] =	stream.indirect.gather [hbm4b:s2+s8], $0x20, s30, s8, $0xb8;
	[tilespmem:$0x9100] =	vst v63  }
0x73: {  	s31 =	sadd.s32 $0x300, s20  }
0x74: {  	[tilespmem:s15], [sflag:$0x1] =	stream.indirect.gather [hbm4b:s2+s8], $0x20, s31, s8, $0xb8;
	[tilespmem:$0x9100] =	vst v63  }
0x75: {  	s20 =	sadd.s32 $0x380, s20  }
0x76: {  	[tilespmem:s16], [sflag:$0x1] =	stream.indirect.gather [hbm4b:s2+s8], $0x20, s20, s8, $0xb8;
	[tilespmem:$0x9100] =	vst v63  }
0x77: {  	_ =	swait.ge [sflag:s17], $0xFA0  }
0x78: {  	[sflag:s17] =	ssyncset.done $0x0  }
0x79: {  	[sflag:s17] =	ssyncadd.s32 $0xFFFFF060  }
0x7a: {  	_ =	swait.ge [sflag:s17], $0xFA0  }
0x7b: {  	[sflag:s17] =	ssyncset.done $0x0  }
0x7c: {  	[sflag:s17] =	ssyncadd.s32 $0xFFFFF060  }
0x7d: {  	_ =	swait.ge [sflag:s17], $0xFA0  }
0x7e: {  	[sflag:s17] =	ssyncset.done $0x0  }
0x7f: {  	[sflag:s17] =	ssyncadd.s32 $0xFFFFF060  }
0x80: {  	_ =	swait.ge [sflag:s17], $0xFA0  }
0x81: {  	[sflag:s17] =	ssyncset.done $0x0  }
0x82: {  	[sflag:s17] =	ssyncadd.s32 $0xFFFFF060  }
0x83: {  	_ =	swait.ge [sflag:s17], $0xFA0  }
0x84: {  	[sflag:s17] =	ssyncset.done $0x0  }
0x85: {  	[sflag:s17] =	ssyncadd.s32 $0xFFFFF060  }
0x86: {  	_ =	swait.ge [sflag:s17], $0xFA0  }
0x87: {  	[sflag:s17] =	ssyncset.done $0x0  }
0x88: {  	[sflag:s17] =	ssyncadd.s32 $0xFFFFF060  }
0x89: {  	_ =	swait.ge [sflag:s17], $0xFA0  }
0x8a: {  	[sflag:s17] =	ssyncset.done $0x0  }
0x8b: {  	[sflag:s17] =	ssyncadd.s32 $0xFFFFF060  }
0x8c: {  	s18 =	sadd.s32 $0x1, s18;
	_ =	swait.ge [sflag:s17], $0xFA0  }
0x8d: {  	p0 =	sne.s32 s18, s5;
	[sflag:s17] =	ssyncset.done $0x0  }
.Ltmp1:
0x8e: {  	[sflag:s17] =	ssyncadd.s32 $0xFFFFF060;
	(pc) =	sbr.rel @p0 .LBB2_1-.Ltmp1, $4  }
0x8f: {  	[hbm4b:s19+s3] =	stream.linear.scatter [tilespmem:s9], [sflag:$0x2], $0x7D00, $0x38;
	[tilespmem:$0x9100] =	vst v63  }
0x90: {  	_ =	swait.ge [sflag:s7], $0x7D00  }
0x91: {  	[sflag:s7] =	ssyncset.done $0x0  }
0x92: {  	[sflag:s7] =	ssyncadd.s32 $0xFFFF8300  }
0x93: {  	_ =	sfence.sel $0x180000  }
0x94: {  	[bflag:$0x0] =	sbarrier.arrive $0xFFFF  }
0x95: {  	p0 =	sne.s32 s0, $0x0;
	_ =	strace $0x90000047  }
0x96: {  	s0 =	sadd.s32 @!p0 $0x100000, s1;
	[bflag:$0x2] =	sbarrier.arrive $0xFFFF  }
0x97: {  	[sflag:s0] =	ssyncadd.tile.s32 @!p0 $0x1;
	_ =	shalt  }
.Lfunc_end2:
_tile_overlayer_lowered:
.L_overlay_start_2:
0x98: {  	(tag) =	ssettag $0x2  }
0x99: {  	s0 =	rddreg [dreg:$0x0];
	s2 =	stileid.u32  }
0x9a: {  	s1 =	rddreg [dreg:$0x1];
	p0 =	sne.s32 s2, $0x0  }
0x9b: {  	s3 =	rddreg [dreg:$0x2];
	[bflag:$0x3] =	sbarrier.arrive $0xFFFF;
	s2 =	simm.s32 @!p0 $0x1C02  }
0x9c: {  	[timem:s3], [sflag:s2] =	dma.local @!p0 [hbm:s0], s1  }
0x9d: {  	s0 =	simm.s32 @!p0 $0x2  }
0x9e: {  	_ =	swait.ge @!p0 [sflag:s0], s1  }
0x9f: {  	s1 =	ssub.s32 @!p0 $0x0, s1;
	[sflag:s0] =	ssyncset.done @!p0 $0x0  }
0xa0: {  	[sflag:s0] =	ssyncadd.s32 @!p0 s1  }
0xa1: {  	[bflag:$0x3] =	sbarrier.arrive $0xFFFF  }
0xa2: {  	_ =	shalt  }

// kernel: kernel.9.cloned.1.call-start
scs
__scs_entry_jumppad:
0x0: {  	(pc) =	sbr.rel $0x88, $3  }
0x1: {  	(tag) =	ssettag $0x0;
	lr =	simm.s32 $0x1  }
0x2: {  	[smem:$0x3F9B] =	sst lr;
	_ =	strace $0xD0000000  }
0x3: {  	_ = 	snop  }
0x4: {  	_ = 	snop  }
0x5: {  	_ = 	snop  }
0x6: {  	_ = 	snop  }
0x7: {  	_ = 	snop  }
__scs_overlays_trampoline_lowered:
0x8: {  	[smem:$0x3FAA] =	sst s0  }
0x9: {  	[smem:$0x3FAB] =	sst s1  }
0xa: {  	[smem:$0x3FAC] =	sst s2  }
0xb: {  	[smem:$0x3FAD] =	sst s3  }
0xc: {  	[smem:$0x3FAE] =	sst s4  }
0xd: {  	[smem:$0x3FAF] =	sst s5  }
0xe: {  	[smem:$0x3FB0] =	sst s6  }
0xf: {  	[smem:$0x3FB1] =	sst s7  }
0x10: {  	[smem:$0x3FB2] =	sst s8  }
0x11: {  	[smem:$0x3FB3] =	sst s9;
	s0 =	simm.s32 @!p0 $0x0  }
0x12: {  	s1 =	sld [smem:$0x3F99];
	s0 =	simm.s32 @p0 $0x1  }
0x13: {  	[smem:$0x3FB4] =	sst s0;
	s0 =	simm.s32 @!p1 $0x0  }
0x14: {  	s2 =	sld [smem:$0x3F98];
	s0 =	simm.s32 @p1 $0x1  }
0x15: {  	[smem:$0x3FB5] =	sst s0;
	s0 =	simm.s32 @!p2 $0x0  }
0x16: {  	s3 =	sld [smem:$0x3FDB];
	s0 =	simm.s32 @p2 $0x1  }
0x17: {  	s4 =	simm.s32 $0x1BF5;
	[smem:$0x3FB7] =	sst s0  }
0x18: {  	s0 =	sld [smem:$0x3F9A];
	_ =	swait.ge [sflag:s4], $0x0  }
0x19: {  	s7 =	sld [smem:$0x3F9B]  }
0x1a: {  	s8 =	sadd.s32 $0xFFFFE003, lr  }
0x1b: {  	s9 =	sadd.s32 $0xFFFFFEF7, lr;
	s5 =	simm.s32 $0xFFFFFFFF;
	p2 =	slt.u32 s8, $0xFFFFF086  }
0x1c: {  	p1 =	slt.u32 s9, $0xF7A;
	s5 =	simm.s32 @!p2 $0x0  }
0x1d: {  	s5 =	simm.s32 @p1 $0x1;
	p0 =	seq.s32 s7, s2  }
0x1e: {  	s7 =	smul.u32 @!p0 $0xF7A, s2;
	p2 =	seq.s32 @!p0 s5, $0x0  }
0x1f: {  	s9 =	smul.u32 $0xF7A, s1;
	s8 =	simm.s32 @!p0 $0x1BF5;
	p2 =	por !p2, p0  }
0x20: {  	[sflag:s8] =	ssyncset.s32 @!p0 $0xFFFFF086;
	s6 =	sadd.s32 @!p0 s3, s7;
	s7 =	simm.s32 @!p0 $0x108  }
0x21: {  	s3 =	sadd.s32 s3, s9;
	s6 =	sadd.s32 @!p0 $0x88, s6;
	s7 =	simm.s32 @p2 $0x1082  }
0x22: {  	[simem:s7], [sflag:s8] =	dma.local @!p0 [hbm:s6], $0xF7A  }
0x23: {  	s9 =	sor.u32 $0xD0000000, s2;
	s6 =	simm.s32 $0x108;
	_ =	swait.ge @!p0 [sflag:s8], $0x0  }
0x24: {  	s3 =	sadd.s32 $0x88, s3;
	s6 =	simm.s32 @!p1 $0x1082;
	[sflag:s4] =	ssyncset.s32 $0xFFFFF086  }
0x25: {  	[simem:s6], [sflag:s4] =	dma.local [hbm:s3], $0xF7A  }
0x26: {  	[smem:$0x3F9B] =	sst s1;
	(tag) =	ssettag s2;
	_ =	strace s9  }
0x27: {  	s1 =	sld [smem:$0x3FAB]  }
0x28: {  	s2 =	sld [smem:$0x3FAC]  }
0x29: {  	s4 =	sld [smem:$0x3FAE]  }
0x2a: {  	p0 =	seq.s32 s5, $0x0;
	s5 =	sld [smem:$0x3FAF]  }
0x2b: {  	s6 =	sld [smem:$0x3FB0]  }
0x2c: {  	s7 =	sld [smem:$0x3FB1]  }
0x2d: {  	s3 =	simm.s32 $0x108;
	s8 =	sld [smem:$0x3FB2]  }
0x2e: {  	s3 =	simm.s32 @!p0 $0x1082;
	s9 =	sld [smem:$0x3FB3]  }
0x2f: {  	lr =	sadd.s32 s0, s3;
	s0 =	sld [smem:$0x3FAA]  }
0x30: {  	s3 =	sld [smem:$0x3FAD]  }
0x31: {  	[smem:$0x3FB6] =	sst s10  }
0x32: {  	s10 =	sld [smem:$0x3FB4];
	_ =	sdelay $0x3  }
0x33: {  	p0 =	seq.s32 s10, $0x1;
	s10 =	sld [smem:$0x3FB6];
	_ =	sdelay $0x3  }
0x34: {  	[smem:$0x3FB6] =	sst s10  }
0x35: {  	s10 =	sld [smem:$0x3FB5];
	_ =	sdelay $0x3  }
0x36: {  	p1 =	seq.s32 s10, $0x1;
	s10 =	sld [smem:$0x3FB6];
	_ =	sdelay $0x3  }
0x37: {  	[smem:$0x3FB6] =	sst s10  }
0x38: {  	s10 =	sld [smem:$0x3FB7]  }
0x39: {  	_ = 	snop;
	(pc) =	sbr.ind lr, $3  }
0x3a: {  	_ = 	snop  }
0x3b: {  	_ = 	snop  }
0x3c: {  	p2 =	seq.s32 s10, $0x1;
	s10 =	sld [smem:$0x3FB6]  }
0x3d: {  	_ =	shalt  }
0x3e: {  	_ =	shalt  }
0x3f: {  	_ =	shalt  }
0x40: {  	_ =	shalt  }
0x41: {  	_ =	shalt  }
0x42: {  	_ =	shalt  }
0x43: {  	_ =	shalt  }
0x44: {  	_ =	shalt  }
0x45: {  	_ =	shalt  }
0x46: {  	_ =	shalt  }
0x47: {  	_ =	shalt  }
0x48: {  	_ =	shalt  }
0x49: {  	_ =	shalt  }
0x4a: {  	_ =	shalt  }
0x4b: {  	_ =	shalt  }
0x4c: {  	_ =	shalt  }
0x4d: {  	_ =	shalt  }
0x4e: {  	_ =	shalt  }
0x4f: {  	_ =	shalt  }
0x50: {  	_ =	shalt  }
0x51: {  	_ =	shalt  }
0x52: {  	_ =	shalt  }
0x53: {  	_ =	shalt  }
0x54: {  	_ =	shalt  }
0x55: {  	_ =	shalt  }
0x56: {  	_ =	shalt  }
0x57: {  	_ =	shalt  }
0x58: {  	_ =	shalt  }
0x59: {  	_ =	shalt  }
0x5a: {  	_ =	shalt  }
0x5b: {  	_ =	shalt  }
0x5c: {  	_ =	shalt  }
0x5d: {  	_ =	shalt  }
0x5e: {  	_ =	shalt  }
0x5f: {  	_ =	shalt  }
0x60: {  	_ =	shalt  }
0x61: {  	_ =	shalt  }
0x62: {  	_ =	shalt  }
0x63: {  	_ =	shalt  }
0x64: {  	_ =	shalt  }
0x65: {  	_ =	shalt  }
0x66: {  	_ =	shalt  }
0x67: {  	_ =	shalt  }
0x68: {  	_ =	shalt  }
0x69: {  	_ =	shalt  }
0x6a: {  	_ =	shalt  }
0x6b: {  	_ =	shalt  }
0x6c: {  	_ =	shalt  }
0x6d: {  	_ =	shalt  }
0x6e: {  	_ =	shalt  }
0x6f: {  	_ =	shalt  }
0x70: {  	_ =	shalt  }
0x71: {  	_ =	shalt  }
0x72: {  	_ =	shalt  }
0x73: {  	_ =	shalt  }
0x74: {  	_ =	shalt  }
0x75: {  	_ =	shalt  }
0x76: {  	_ =	shalt  }
0x77: {  	_ =	shalt  }
0x78: {  	_ =	shalt  }
0x79: {  	_ =	shalt  }
0x7a: {  	_ =	shalt  }
0x7b: {  	_ =	shalt  }
0x7c: {  	_ =	shalt  }
0x7d: {  	_ =	shalt  }
0x7e: {  	_ =	shalt  }
0x7f: {  	_ =	shalt  }
0x80: {  	_ =	shalt  }
0x81: {  	_ =	shalt  }
0x82: {  	_ =	shalt  }
0x83: {  	_ =	shalt  }
0x84: {  	_ =	shalt  }
0x85: {  	_ =	shalt  }
0x86: {  	_ =	shalt  }
0x87: {  	_ =	shalt  }
.Lfunc_end0:
.L_simem_size_0:
called_computation.1_lowered:
.L_overlay_start_0:
0x88: {  	s2 =	sld [smem:$0x3FD9]  }
0x89: {  	s3 =	sld [smem:$0x3FFE];
	_ =	sdelay $0x1  }
0x8a: {  	s1 =	srdreg.scid  }
0x8b: {  	s0 =	sand.u32 $0x1, s1  }
0x8c: {  	s16 =	sshll.u32 s0, $0xA;
	s2 =	sadd.s32 s3, s2  }
0x8d: {  	s2 =	sadd.s32 s2, s16  }
0x8e: {  	[smem:$0x3FC2] =	sst s2  }
0x8f: {  	_ = 	snop  }
0x90: {  	(tm) =	ssettm $0x1  }
0x91: {  	s17 =	sld [smem:$0x3FFB];
	_ =	sdelay $0x3  }
0x92: {  	_ =	strace s17  }
0x93: {  	s2 =	sld [smem:$0x3FFC];
	_ =	sdelay $0x3  }
0x94: {  	_ =	strace s2  }
0x95: {  	s2 =	sld [smem:$0x3FFD];
	_ =	sdelay $0x3  }
0x96: {  	_ =	strace s2  }
0x97: {  	_ =	strace $0x8FFFFFFF  }
0x98: {  	s18 =	sld [smem:$0x3FDB];
	_ =	sdelay $0x1  }
0x99: {  	s19 =	simm.s32 $_scs_section_size  }
0x9a: {  	s4 =	simm.s32 $_size__tile_overlayer_lowered;
	s5 =	simm.s32 $_tile_overlayer_lowered  }
0x9b: {  	s22 =	simm.s32 $0x1BFF;
	s21 =	sshll.u32 s5, $0x1;
	s2 =	sadd.s32 s19, s18  }
0x9c: {  	s6 =	simm.s32 $0x0;
	s20 =	sshll.u32 s4, $0x1;
	s4 =	sadd.s32 s21, s2  }
0x9d: {  	[timem:s6], [sflag:s22] =	dma.local [hbm:s4], s20  }
0x9e: {  	_ =	swait.ge [sflag:s22], s20  }
0x9f: {  	s3 =	ssub.s32 $0x0, s20;
	[sflag:s22] =	ssyncset.done $0x0  }
0xa0: {  	[sflag:s22] =	ssyncadd.s32 s3;
	_ =	sdelay $0x1  }
0xa1: {  	s23 =	simm.s32 $0x1B8B  }
0xa2: {  	_ =	swait.ge [sflag:s23], $0x1  }
0xa3: {  	[sflag:s23] =	ssyncset.done $0x0  }
0xa4: {  	s25 =	simm.s32 $0x1B8E;
	s24 =	sld [smem:$0x3FFE];
	[sflag:s23] =	ssyncadd.s32 $0xFFFFFFFF  }
0xa5: {  	s26 =	simm.s32 $execute0_lowered;
	[smem:$0x3FD2] =	sst s25  }
0xa6: {  	s4 =	sshll.u32 s26, $0x1;
	_ =	strace $0x80000049;
	[dreg:$0x1] =	wrdreg $0xFFFFFFFF  }
0xa7: {  	s28 =	simm.s32 $_size_execute0_lowered;
	s2 =	sadd.s32 s2, s4;
	[dreg:$0x0] =	wrdreg $0x0  }
0xa8: {  	s4 =	sshll.u32 s28, $0x1;
	[dreg:$0x2] =	wrdreg s2  }
0xa9: {  	[dreg:$0x3] =	wrdreg s4  }
0xaa: {  	[dreg:$0x4] =	wrdreg $0xC0  }
0xab: {  	_ =	task [dreg:s6], $0x5FFFF  }
0xac: {  	[dreg:$0x1] =	wrdreg $0xFFFFFFFF  }
0xad: {  	[dreg:$0x0] =	wrdreg $0x60  }
0xae: {  	[dreg:$0x2] =	wrdreg s24  }
0xaf: {  	[dreg:$0x3] =	wrdreg $0x147800  }
0xb0: {  	[dreg:$0x4] =	wrdreg $0x9  }
0xb1: {  	_ =	task.clear_ibuf [dreg:s6], $0x5FFFF;
	_ =	strace $0x90000049  }
0xb2: {  	s29 =	simm.s32 $0x9;
	_ =	strace $0x8000004B  }
0xb3: {  	_ =	swait.ge [sflag:s29], $0x1  }
0xb4: {  	[sflag:s29] =	ssyncadd.s32 $0xFFFFFFFF  }
0xb5: {  	_ =	strace $0x9000004B  }
0xb6: {  	_ =	sfence  }
0xb7: {  	s30 =	sld [smem:$0x0];
	_ =	sdelay $0x2  }
0xb8: {  	s31 =	sshll.u32 s1, $0xD;
	s1 =	sshrl.u32 s1, $0x2  }
0xb9: {  	s3 =	sand.u32 $0x4000, s31;
	s1 =	sadd.s32 s1, s30  }
0xba: {  	s0 =	sor.u32 s3, s0;
	s1 =	sshll.u32 s1, $0x11  }
0xbb: {  	s0 =	sor.u32 s1, s0  }
0xbc: {  	s0 =	sadd.s32 $0x8F2B, s0  }
0xbd: {  	[sflag:s0] =	ssyncadd.remote.s32 $0x1  }
0xbe: {  	_ =	sfence.sel $0xFFFF  }
0xbf: {  	[dreg:$0x0] =	wrdreg $0xFFFFFFFF;
	(pc) =	sbr.abs _section_cstart, $3  }
0xc0: {  	[dreg:$0x1] =	wrdreg $0xFFFFFFFF  }
0xc1: {  	_ =	task.clear_ibuf [dreg:s6], $0x2FFFF;
	_ =	strace $0x9FFFFFFF  }
0xc2: {  	(tm) =	ssettm $0x7FFFFFFF  }
0xc3: {  	_ =	shalt  }
tec
execute0_lowered:
.L_overlay_start_1:
0x0: {  	(tag) =	ssettag $0x1  }
0x1: {  	s5 =	rddreg [dreg:$0x0]  }
0x2: {  	s0 =	srdreg.scid;
	s2 =	rddreg [dreg:$0x1];
	s3 =	simm.s32 $0x0  }
0x3: {  	s13 =	simm.s32 $0x7D;
	s14 =	simm.s32 $0x2B70;
	s15 =	simm.s32 $0x42E0  }
0x4: {  	s16 =	simm.s32 $0x5A50;
	s17 =	simm.s32 $0x71C0;
	s18 =	simm.s32 $0x8930  }
0x5: {  	s19 =	simm.s32 $0xA0A0;
	s20 =	simm.s32 $0xB810;
	s4 =	sand.u32 $0x1, s0  }
0x6: {  	s21 =	simm.s32 $0x1;
	s0 =	stileid.u32;
	s6 =	smul.u32 $0x75300, s4  }
0x7: {  	s22 =	simm.s32 $0x0;
	[smem:$0x7FF] =	sst s3;
	s8 =	smul.u32 $0x7800, s0  }
0x8: {  	s1 =	sshll.u32 s4, $0x4;
	s9 =	smul.u32 $0x78000, s4;
	s4 =	ssub.s32 $0x2, s4  }
0x9: {  	s11 =	smul.u32 $0x7530, s0;
	s1 =	sor.u32 s0, s1;
	s30 =	sshrl.u32 s4, $0x1  }
0xa: {  	s7 =	smul.u32 $0x280, s1;
	s1 =	rddreg [dreg:$0x2];
	_ =	strace $0x8000004A  }
0xb: {  	s10 =	sadd.s32 s6, s5;
	s29 =	sshrl.u32 s8, $0x3;
	s9 =	sadd.s32 s8, s9  }
0xc: {  	s12 =	ssub.s32 s4, s30;
	s9 =	sshrl.u32 s9, $0x3;
	s31 =	sadd.s32 s11, s10  }
0xd: {  	s10 =	simm.s32 $0xCF80;
	s11 =	simm.s32 $0x2;
	s28 =	sadd.s32 s7, s5  }
0xe: {  	s7 =	sadd.s32 s29, s5;
	s9 =	sadd.s32 s9, s5;
	s5 =	sadd.s32 s8, s2  }
0xf: {  	s8 =	smax.u32 s12, $0x1;
	s12 =	simm.s32 $0x1400;
	s6 =	sadd.s32 $0x313600, s28  }
0x10: {  	s4 =	sadd.s32 $0x1200, s7;
	s7 =	sadd.s32 $0x10200, s9;
	s9 =	sadd.s32 $0x318600, s31  }
.LBB2_1:
0x11: {  	[tilespmem:s10], [sflag:$0x2] =	stream.linear.gather [hbm4b:s4+s3], $0x7800, $0x38;
	[tilespmem:$0x1BF80] =	vst v63  }
0x12: {  	_ =	swait.ge [sflag:s11], $0x7800  }
0x13: {  	[sflag:s11] =	ssyncset.done $0x0  }
0x14: {  	[sflag:s11] =	ssyncadd.s32 $0xFFFF8800  }
0x15: {  	[spmem:s5] =	stream.linear.scatter [tilespmem:s10], [sflag:$0x2], $0x7800, $0x38;
	[tilespmem:$0x1BF80] =	vst v63  }
0x16: {  	_ =	swait.ge [sflag:s11], $0x7800  }
0x17: {  	[sflag:s11] =	ssyncset.done $0x0  }
0x18: {  	[sflag:s11] =	ssyncadd.s32 $0xFFFF8800  }
0x19: {  	[bflag:$0x0] =	sbarrier.arrive $0xFFFF  }
0x1a: {  	[tilespmem:s3], [sflag:$0x2] =	stream.linear.gather [hbm4b:s6+s3], $0x1400, $0x38;
	[tilespmem:$0x1BF80] =	vst v63  }
0x1b: {  	_ =	swait.ge [sflag:s11], $0x1400  }
0x1c: {  	[sflag:s11] =	ssyncset.done $0x0  }
0x1d: {  	[sflag:s11] =	ssyncadd.s32 $0xFFFFEC00  }
0x1e: {  	[tilespmem:s12], [sflag:$0x2] =	stream.linear.gather [hbm4b:s9+s3], $0xBB80, $0x38;
	[tilespmem:$0x1BF80] =	vst v63  }
0x1f: {  	_ =	swait.ge [sflag:s11], $0xBB80  }
0x20: {  	[sflag:s11] =	ssyncset.done $0x0  }
0x21: {  	s23 =	simm.s32 $0x0;
	[sflag:s11] =	ssyncadd.s32 $0xFFFF4480  }
0x22: {  	[spmem:s2] =	stream.indirect.scatter.add.f32 [tilespmem:s12], [sflag:$0x1], $0x30, s23, s13, $0xb8;
	[tilespmem:$0x1BF80] =	vst v63  }
0x23: {  	s24 =	simm.s32 $0x80  }
0x24: {  	[spmem:s2] =	stream.indirect.scatter.add.f32 [tilespmem:s14], [sflag:$0x1], $0x30, s24, s13, $0xb8;
	[tilespmem:$0x1BF80] =	vst v63  }
0x25: {  	s25 =	simm.s32 $0x100  }
0x26: {  	[spmem:s2] =	stream.indirect.scatter.add.f32 [tilespmem:s15], [sflag:$0x1], $0x30, s25, s13, $0xb8;
	[tilespmem:$0x1BF80] =	vst v63  }
0x27: {  	s26 =	simm.s32 $0x180  }
0x28: {  	[spmem:s2] =	stream.indirect.scatter.add.f32 [tilespmem:s16], [sflag:$0x1], $0x30, s26, s13, $0xb8;
	[tilespmem:$0x1BF80] =	vst v63  }
0x29: {  	s28 =	simm.s32 $0x200  }
0x2a: {  	[spmem:s2] =	stream.indirect.scatter.add.f32 [tilespmem:s17], [sflag:$0x1], $0x30, s28, s13, $0xb8;
	[tilespmem:$0x1BF80] =	vst v63  }
0x2b: {  	s29 =	simm.s32 $0x280  }
0x2c: {  	[spmem:s2] =	stream.indirect.scatter.add.f32 [tilespmem:s18], [sflag:$0x1], $0x30, s29, s13, $0xb8;
	[tilespmem:$0x1BF80] =	vst v63  }
0x2d: {  	s30 =	simm.s32 $0x300  }
0x2e: {  	[spmem:s2] =	stream.indirect.scatter.add.f32 [tilespmem:s19], [sflag:$0x1], $0x30, s30, s13, $0xb8;
	[tilespmem:$0x1BF80] =	vst v63  }
0x2f: {  	s31 =	simm.s32 $0x380  }
0x30: {  	[spmem:s2] =	stream.indirect.scatter.add.f32 [tilespmem:s20], [sflag:$0x1], $0x30, s31, s13, $0xb8;
	[tilespmem:$0x1BF80] =	vst v63  }
0x31: {  	_ =	swait.ge [sflag:s21], $0x1770  }
0x32: {  	[sflag:s21] =	ssyncset.done $0x0  }
0x33: {  	[sflag:s21] =	ssyncadd.s32 $0xFFFFE890  }
0x34: {  	_ =	swait.ge [sflag:s21], $0x1770  }
0x35: {  	[sflag:s21] =	ssyncset.done $0x0  }
0x36: {  	[sflag:s21] =	ssyncadd.s32 $0xFFFFE890  }
0x37: {  	_ =	swait.ge [sflag:s21], $0x1770  }
0x38: {  	[sflag:s21] =	ssyncset.done $0x0  }
0x39: {  	[sflag:s21] =	ssyncadd.s32 $0xFFFFE890  }
0x3a: {  	_ =	swait.ge [sflag:s21], $0x1770  }
0x3b: {  	[sflag:s21] =	ssyncset.done $0x0  }
0x3c: {  	[sflag:s21] =	ssyncadd.s32 $0xFFFFE890  }
0x3d: {  	_ =	swait.ge [sflag:s21], $0x1770  }
0x3e: {  	[sflag:s21] =	ssyncset.done $0x0  }
0x3f: {  	[sflag:s21] =	ssyncadd.s32 $0xFFFFE890  }
0x40: {  	_ =	swait.ge [sflag:s21], $0x1770  }
0x41: {  	[sflag:s21] =	ssyncset.done $0x0  }
0x42: {  	[sflag:s21] =	ssyncadd.s32 $0xFFFFE890  }
0x43: {  	_ =	swait.ge [sflag:s21], $0x1770  }
0x44: {  	[sflag:s21] =	ssyncset.done $0x0  }
0x45: {  	[sflag:s21] =	ssyncadd.s32 $0xFFFFE890  }
0x46: {  	_ =	swait.ge [sflag:s21], $0x1770  }
0x47: {  	s23 =	simm.s32 $0x1000;
	s24 =	smov.u32 s9;
	[sflag:s21] =	ssyncset.done $0x0  }
.LBB2_2:
0x48: {  	p0 =	sne.s32 s23, $0x4000;
	[sflag:s21] =	ssyncadd.s32 $0xFFFFE890;
	s24 =	sadd.s32 $0x1770, s24  }
0x49: {  	[tilespmem:s12], [sflag:$0x2] =	stream.linear.gather [hbm4b:s24+s3], $0xBB80, $0x38;
	[tilespmem:$0x1BF80] =	vst v63  }
0x4a: {  	s25 =	smov.u32 s23;
	s23 =	sadd.s32 $0x1000, s23;
	_ =	swait.ge [sflag:s11], $0xBB80  }
0x4b: {  	[sflag:s11] =	ssyncset.done $0x0  }
0x4c: {  	s25 =	sshra.s32 s25, $0x2;
	[sflag:s11] =	ssyncadd.s32 $0xFFFF4480  }
0x4d: {  	[spmem:s2] =	stream.indirect.scatter.add.f32 [tilespmem:s12], [sflag:$0x1], $0x30, s25, s13, $0xb8;
	[tilespmem:$0x1BF80] =	vst v63  }
0x4e: {  	s26 =	sadd.s32 $0x80, s25  }
0x4f: {  	[spmem:s2] =	stream.indirect.scatter.add.f32 [tilespmem:s14], [sflag:$0x1], $0x30, s26, s13, $0xb8;
	[tilespmem:$0x1BF80] =	vst v63  }
0x50: {  	s26 =	sadd.s32 $0x100, s25  }
0x51: {  	[spmem:s2] =	stream.indirect.scatter.add.f32 [tilespmem:s15], [sflag:$0x1], $0x30, s26, s13, $0xb8;
	[tilespmem:$0x1BF80] =	vst v63  }
0x52: {  	s26 =	sadd.s32 $0x180, s25  }
0x53: {  	[spmem:s2] =	stream.indirect.scatter.add.f32 [tilespmem:s16], [sflag:$0x1], $0x30, s26, s13, $0xb8;
	[tilespmem:$0x1BF80] =	vst v63  }
0x54: {  	s26 =	sadd.s32 $0x200, s25  }
0x55: {  	[spmem:s2] =	stream.indirect.scatter.add.f32 [tilespmem:s17], [sflag:$0x1], $0x30, s26, s13, $0xb8;
	[tilespmem:$0x1BF80] =	vst v63  }
0x56: {  	s26 =	sadd.s32 $0x280, s25  }
0x57: {  	[spmem:s2] =	stream.indirect.scatter.add.f32 [tilespmem:s18], [sflag:$0x1], $0x30, s26, s13, $0xb8;
	[tilespmem:$0x1BF80] =	vst v63  }
0x58: {  	s26 =	sadd.s32 $0x300, s25  }
0x59: {  	[spmem:s2] =	stream.indirect.scatter.add.f32 [tilespmem:s19], [sflag:$0x1], $0x30, s26, s13, $0xb8;
	[tilespmem:$0x1BF80] =	vst v63  }
0x5a: {  	s25 =	sadd.s32 $0x380, s25  }
0x5b: {  	[spmem:s2] =	stream.indirect.scatter.add.f32 [tilespmem:s20], [sflag:$0x1], $0x30, s25, s13, $0xb8;
	[tilespmem:$0x1BF80] =	vst v63  }
0x5c: {  	_ =	swait.ge [sflag:s21], $0x1770  }
0x5d: {  	[sflag:s21] =	ssyncset.done $0x0  }
0x5e: {  	[sflag:s21] =	ssyncadd.s32 $0xFFFFE890  }
0x5f: {  	_ =	swait.ge [sflag:s21], $0x1770  }
0x60: {  	[sflag:s21] =	ssyncset.done $0x0  }
0x61: {  	[sflag:s21] =	ssyncadd.s32 $0xFFFFE890  }
0x62: {  	_ =	swait.ge [sflag:s21], $0x1770  }
0x63: {  	[sflag:s21] =	ssyncset.done $0x0  }
0x64: {  	[sflag:s21] =	ssyncadd.s32 $0xFFFFE890  }
0x65: {  	_ =	swait.ge [sflag:s21], $0x1770  }
0x66: {  	[sflag:s21] =	ssyncset.done $0x0  }
0x67: {  	[sflag:s21] =	ssyncadd.s32 $0xFFFFE890  }
0x68: {  	_ =	swait.ge [sflag:s21], $0x1770  }
0x69: {  	[sflag:s21] =	ssyncset.done $0x0  }
0x6a: {  	[sflag:s21] =	ssyncadd.s32 $0xFFFFE890  }
0x6b: {  	_ =	swait.ge [sflag:s21], $0x1770  }
0x6c: {  	[sflag:s21] =	ssyncset.done $0x0  }
0x6d: {  	[sflag:s21] =	ssyncadd.s32 $0xFFFFE890  }
.Ltmp0:
0x6e: {  	_ =	swait.ge [sflag:s21], $0x1770;
	(pc) =	sbr.rel @p0 .LBB2_2-.Ltmp0, $4  }
0x6f: {  	[sflag:s21] =	ssyncset.done $0x0  }
0x70: {  	[sflag:s21] =	ssyncadd.s32 $0xFFFFE890  }
0x71: {  	_ =	swait.ge [sflag:s21], $0x1770  }
0x72: {  	[sflag:s21] =	ssyncset.done $0x0  }
0x73: {  	[sflag:s21] =	ssyncadd.s32 $0xFFFFE890  }
0x74: {  	[bflag:$0x0] =	sbarrier.arrive $0xFFFF  }
0x75: {  	[tilespmem:s10], [sflag:$0x2] =	stream.linear.gather [spmem:s5], $0x7800, $0x38;
	[tilespmem:$0x1BF80] =	vst v63  }
0x76: {  	s22 =	sadd.s32 $0x1, s22;
	_ =	swait.ge [sflag:s11], $0x7800  }
0x77: {  	p0 =	sne.s32 s22, s8;
	[sflag:s11] =	ssyncset.done $0x0  }
.Ltmp1:
0x78: {  	[sflag:s11] =	ssyncadd.s32 $0xFFFF8800;
	(pc) =	sbr.rel @p0 .LBB2_1-.Ltmp1, $4  }
0x79: {  	[hbm4b:s7+s3] =	stream.linear.scatter [tilespmem:s10], [sflag:$0x2], $0x7800, $0x38;
	[tilespmem:$0x1BF80] =	vst v63  }
0x7a: {  	_ =	swait.ge [sflag:s11], $0x7800  }
0x7b: {  	[sflag:s11] =	ssyncset.done $0x0  }
0x7c: {  	[sflag:s11] =	ssyncadd.s32 $0xFFFF8800  }
0x7d: {  	_ =	sfence.sel $0x180000  }
0x7e: {  	[bflag:$0x0] =	sbarrier.arrive $0xFFFF  }
0x7f: {  	p0 =	sne.s32 s0, $0x0;
	_ =	strace $0x9000004A  }
0x80: {  	s0 =	sadd.s32 @!p0 $0x100000, s1;
	[bflag:$0x2] =	sbarrier.arrive $0xFFFF  }
0x81: {  	[sflag:s0] =	ssyncadd.tile.s32 @!p0 $0x1;
	_ =	shalt  }
.Lfunc_end2:
_tile_overlayer_lowered:
.L_overlay_start_2:
0x82: {  	(tag) =	ssettag $0x2  }
0x83: {  	s0 =	rddreg [dreg:$0x0];
	s2 =	stileid.u32  }
0x84: {  	s1 =	rddreg [dreg:$0x1];
	p0 =	sne.s32 s2, $0x0  }
0x85: {  	s3 =	rddreg [dreg:$0x2];
	[bflag:$0x3] =	sbarrier.arrive $0xFFFF;
	s2 =	simm.s32 @!p0 $0x1C02  }
0x86: {  	[timem:s3], [sflag:s2] =	dma.local @!p0 [hbm:s0], s1  }
0x87: {  	s0 =	simm.s32 @!p0 $0x2  }
0x88: {  	_ =	swait.ge @!p0 [sflag:s0], s1  }
0x89: {  	s1 =	ssub.s32 @!p0 $0x0, s1;
	[sflag:s0] =	ssyncset.done @!p0 $0x0  }
0x8a: {  	[sflag:s0] =	ssyncadd.s32 @!p0 s1  }
0x8b: {  	[bflag:$0x3] =	sbarrier.arrive $0xFFFF  }
0x8c: {  	_ =	shalt  }

</sc_bundles>
